<compile_context>
chip_gen: v7x
topology: tpu7x:2x2x1
jax: 0.10.2.dev20260603
libtpu: 0.0.44.dev20260713+nightly
codegen_flags: <defaults>
</compile_context>

<pallas_src>
import functools

import jax
import jax.numpy as jnp
from jax import lax
from jax.experimental import pallas as pl
from jax.experimental.pallas import tpu as pltpu
from jax.experimental.pallas import tpu_sc as plsc

_N_CTX = 12
_SUF = 64
_L = 77
_D = 768
_POS_LEN = _L * _D
_TOT = 2 * _POS_LEN

_INFO = plsc.get_sparse_core_info()
_NC = _INFO.num_cores
_NS = _INFO.num_subcores
_NW = _NC * _NS

_SEGS = (
    (0, 0, _D),
    (1, _D, _N_CTX * _D),
    (2, (1 + _N_CTX) * _D, _SUF * _D),
    (3, _POS_LEN, _D),
    (4, _POS_LEN + _D, _N_CTX * _D),
    (5, _POS_LEN + (1 + _N_CTX) * _D, _SUF * _D),
)
_CHUNK = 4096


def _jobs():
    out = []
    for src, dst0, ln in _SEGS:
        off = 0
        while off < ln:
            ch = min(_CHUNK, ln - off)
            out.append((src, off, dst0 + off, ch))
            off += ch
    return tuple(out)


_JOBS = _jobs()
_COPY_WORKERS = max(_NW - 1, 1)


def _body(pp, cp, sp, pn, cn, sn, tp, tn, out_p, out_t, tmp0, tmp1, tokv):
    wid = lax.axis_index("s") * _NC + lax.axis_index("c")
    srcs = (pp, cp, sp, pn, cn, sn)
    for j, (src_i, soff, doff, ln) in enumerate(_JOBS):
        @pl.when(wid == j % _COPY_WORKERS)
        def _copy(src=srcs[src_i], soff=soff, doff=doff, ln=ln):
            pltpu.sync_copy(src.at[pl.ds(soff, ln)], out_p.at[pl.ds(doff, ln)])

    @pl.when(wid == _NW - 1)
    def _tok():
        pltpu.sync_copy(tp, tmp0)
        pltpu.sync_copy(tn, tmp1)
        for off in (0, 16, 32, 48, _L - 16):
            tokv[pl.ds(off, 16)] = tmp0[pl.ds(off, 16)]
            tokv[pl.ds(_L + off, 16)] = tmp1[pl.ds(off, 16)]
        pltpu.sync_copy(tokv, out_t)


_sc_call = functools.partial(
    pl.kernel,
    mesh=plsc.VectorSubcoreMesh(core_axis_name="c", subcore_axis_name="s"),
    out_type=(
        jax.ShapeDtypeStruct((_TOT,), jnp.float32),
        jax.ShapeDtypeStruct((2 * _L,), jnp.int32),
    ),
    scratch_types=[
        pltpu.VMEM((_L,), jnp.int32),
        pltpu.VMEM((_L,), jnp.int32),
        pltpu.VMEM((2 * _L,), jnp.int32),
    ],
)(_body)


def kernel(ctx_pos, ctx_neg, token_prefix_pos, token_suffix_pos,
           token_prefix_neg, token_suffix_neg, tokenized_prompts_pos,
           tokenized_prompts_neg, compound_prompts_text):
    pp = token_prefix_pos.reshape(_D)
    cp = ctx_pos.reshape(_N_CTX * _D)
    sp = token_suffix_pos.reshape(_SUF * _D)
    pn = token_prefix_neg.reshape(_D)
    cn = ctx_neg.reshape(_N_CTX * _D)
    sn = token_suffix_neg.reshape(_SUF * _D)
    tp = tokenized_prompts_pos.reshape(_L)
    tn = tokenized_prompts_neg.reshape(_L)

    prompts_flat, tok = _sc_call(pp, cp, sp, pn, cn, sn, tp, tn)
    return prompts_flat.reshape(2, _L, _D), tok.reshape(2, _L), compound_prompts_text

# --- scband reference (transcript-rebuilt; emitter-appended) ---
"""Pipeline reference for scband-anomaly-clip-prompt-learner-1700807049389 (READ-ONLY COPY).

The authoritative reference and input builder live on the scoring server;
editing this copy changes nothing except your own understanding.
"""

import jax, jax.numpy as jnp
import numpy as np

N_CLS = 1
N_NORMAL = 1
N_ANOM = 1
N_CTX = 12          # design_details['Prompt_length']
CTX_DIM = 768       # CLIP ViT-L/14 text transformer width (model.ln_final.weight.shape[0])
CONTEXT_LEN = 77
DEPTH = 9           # design_details['learnabel_text_embedding_depth']
TEXT_CTX = 4        # design_details['learnabel_text_embedding_length']
VOCAB = 49408       # CLIP BPE vocab size


def setup_inputs(seed: int = 0) -> dict:
    key = jax.random.key(seed)
    ks = jax.random.split(key, 9)
    suffix_len = CONTEXT_LEN - 1 - N_CTX  # 64
    inp = {}
    # learnable contexts (nn.init.normal_(std=0.02))
    inp['ctx_pos'] = jax.random.normal(ks[0], (N_CLS, N_NORMAL, N_CTX, CTX_DIM), dtype=jnp.float32) * 0.02
    inp['ctx_neg'] = jax.random.normal(ks[1], (N_CLS, N_ANOM, N_CTX, CTX_DIM), dtype=jnp.float32) * 0.02
    # frozen CLIP token-embedding prefix/suffix buffers (SOT token emb + class/EOT/pad embs)
    inp['token_prefix_pos'] = jax.random.normal(ks[2], (N_CLS, N_NORMAL, 1, CTX_DIM), dtype=jnp.float32)
    inp['token_suffix_pos'] = jax.random.normal(ks[3], (N_CLS, N_NORMAL, suffix_len, CTX_DIM), dtype=jnp.float32)
    inp['token_prefix_neg'] = jax.random.normal(ks[4], (N_CLS, N_ANOM, 1, CTX_DIM), dtype=jnp.float32)
    inp['token_suffix_neg'] = jax.random.normal(ks[5], (N_CLS, N_ANOM, suffix_len, CTX_DIM), dtype=jnp.float32)
    # tokenized prompt id buffers
    inp['tokenized_prompts_pos'] = jax.random.randint(ks[6], (N_CLS, N_NORMAL, CONTEXT_LEN), 0, VOCAB, dtype=jnp.int32)
    inp['tokenized_prompts_neg'] = jax.random.randint(ks[7], (N_CLS, N_ANOM, CONTEXT_LEN), 0, VOCAB, dtype=jnp.int32)
    # compound deep text prompts: (depth-1) params of [TEXT_CTX, CTX_DIM], stacked
    inp['compound_prompts_text'] = jax.random.normal(ks[8], (DEPTH - 1, TEXT_CTX, CTX_DIM), dtype=jnp.float32) * 0.02
    return inp


def reference(ctx_pos, ctx_neg, token_prefix_pos, token_suffix_pos, token_prefix_neg,
              token_suffix_neg, tokenized_prompts_pos, tokenized_prompts_neg,
              compound_prompts_text):
    # prompts_pos = cat([prefix, ctx, suffix], dim=2)
    prompts_pos = jnp.concatenate([token_prefix_pos, ctx_pos, token_suffix_pos], axis=2)
    prompts_neg = jnp.concatenate([token_prefix_neg, ctx_neg, token_suffix_neg], axis=2)
    l, d = prompts_pos.shape[2], prompts_pos.shape[3]
    prompts_pos = prompts_pos.reshape(-1, l, d)
    ln, dn = prompts_neg.shape[2], prompts_neg.shape[3]
    prompts_neg = prompts_neg.reshape(-1, ln, dn)
    prompts = jnp.concatenate([prompts_pos, prompts_neg], axis=0)
    tp_pos = tokenized_prompts_pos.reshape(-1, tokenized_prompts_pos.shape[-1])
    tp_neg = tokenized_prompts_neg.reshape(-1, tokenized_prompts_neg.shape[-1])
    tokenized_prompts = jnp.concatenate([tp_pos, tp_neg], axis=0)
    return prompts, tokenized_prompts, compound_prompts_text

if __name__ == "__main__":
    import jax
    _d = setup_inputs()
    print(jax.jit(kernel)(*tuple(_d.values())))

</pallas_src>

<mosaic_0001>
#map = affine_map<(d0, d1) -> (0)>
module attributes {stable_mosaic.version = 14 : i64} {
  func.func @_body(%arg0: i32, %arg1: i32, %arg2: memref<768xf32, #tpu.memory_space<hbm>>, %arg3: memref<9216xf32, #tpu.memory_space<hbm>>, %arg4: memref<49152xf32, #tpu.memory_space<hbm>>, %arg5: memref<768xf32, #tpu.memory_space<hbm>>, %arg6: memref<9216xf32, #tpu.memory_space<hbm>>, %arg7: memref<49152xf32, #tpu.memory_space<hbm>>, %arg8: memref<77xi32, #tpu.memory_space<hbm>>, %arg9: memref<77xi32, #tpu.memory_space<hbm>>, %arg10: memref<118272xf32, #tpu.memory_space<hbm>>, %arg11: memref<154xi32, #tpu.memory_space<hbm>>, %arg12: memref<77xi32, #tpu.memory_space<vmem>>, %arg13: memref<77xi32, #tpu.memory_space<vmem>>, %arg14: memref<154xi32, #tpu.memory_space<vmem>>) attributes {dimension_semantics = [#tpu.dimension_semantics<core_parallel>, #tpu.dimension_semantics<subcore_parallel>], iteration_bounds = array<i64: 2, 16>, scalar_prefetch = 0 : i64, scratch_operands = 3 : i64, tpu.core_type = #tpu.core_type<sc_vector_subcore>, window_params = [{transform_indices = #map}, {transform_indices = #map}, {transform_indices = #map}, {transform_indices = #map}, {transform_indices = #map}, {transform_indices = #map}, {transform_indices = #map}, {transform_indices = #map}, {transform_indices = #map}, {transform_indices = #map}]} {
    %mul3A = arith.constant 2 : i32
    %mul3A_0 = arith.muli %arg1, %mul3A : i32
    %add3A = arith.addi %mul3A_0, %arg0 : i32
    %eq3A = arith.constant 0 : i32
    %eq3A_1 = arith.cmpi eq, %add3A, %eq3A : i32
    %convert_element_type3A = arith.extui %eq3A_1 : i1 to i32
    %cond3A = arith.constant 0 : i32
    %cond3A_2 = arith.cmpi ne, %convert_element_type3A, %cond3A : i32
    scf.if %cond3A_2 {
      "tpu.region"() ({
        %run_scoped3A = tpu.sem_alloc : memref<!tpu.dma_semaphore, #tpu.memory_space<semaphore_mem>>
        %dma_start3A = arith.constant 0 : i32
        %dma_start3A_163 = tpu.memref_slice %arg10[%dma_start3A] : memref<118272xf32, #tpu.memory_space<hbm>> -> memref<768xf32, #tpu.memory_space<hbm>>
        %dma_start3A_164 = arith.constant 0 : i32
        %dma_start3A_165 = tpu.memref_slice %arg2[%dma_start3A_164] : memref<768xf32, #tpu.memory_space<hbm>> -> memref<768xf32, #tpu.memory_space<hbm>>
        tpu.enqueue_dma source(%dma_start3A_165 : memref<768xf32, #tpu.memory_space<hbm>>) target(%dma_start3A_163 : memref<768xf32, #tpu.memory_space<hbm>>) target_semaphore(%run_scoped3A : memref<!tpu.dma_semaphore, #tpu.memory_space<semaphore_mem>>)
        %dma_wait3A = arith.constant 0 : i32
        %dma_wait3A_166 = tpu.memref_slice %arg10[%dma_wait3A] : memref<118272xf32, #tpu.memory_space<hbm>> -> memref<768xf32, #tpu.memory_space<hbm>>
        %dma_wait3A_167 = arith.constant 0 : i32
        %dma_wait3A_168 = tpu.memref_slice %arg2[%dma_wait3A_167] : memref<768xf32, #tpu.memory_space<hbm>> -> memref<768xf32, #tpu.memory_space<hbm>>
        tpu.wait_dma2 semaphore(%run_scoped3A : memref<!tpu.dma_semaphore, #tpu.memory_space<semaphore_mem>>) src(%dma_wait3A_168 : memref<768xf32, #tpu.memory_space<hbm>>) dst(%dma_wait3A_166 : memref<768xf32, #tpu.memory_space<hbm>>)
        tpu.yield
      }) : () -> ()
    } else {
    }
    %eq3A_3 = arith.constant 1 : i32
    %eq3A_4 = arith.cmpi eq, %add3A, %eq3A_3 : i32
    %convert_element_type3A_5 = arith.extui %eq3A_4 : i1 to i32
    %cond3A_6 = arith.constant 0 : i32
    %cond3A_7 = arith.cmpi ne, %convert_element_type3A_5, %cond3A_6 : i32
    scf.if %cond3A_7 {
      "tpu.region"() ({
        %run_scoped3A = tpu.sem_alloc : memref<!tpu.dma_semaphore, #tpu.memory_space<semaphore_mem>>
        %dma_start3A = arith.constant 768 : i32
        %dma_start3A_163 = tpu.memref_slice %arg10[%dma_start3A] : memref<118272xf32, #tpu.memory_space<hbm>> -> memref<4096xf32, #tpu.memory_space<hbm>>
        %dma_start3A_164 = arith.constant 0 : i32
        %dma_start3A_165 = tpu.memref_slice %arg3[%dma_start3A_164] : memref<9216xf32, #tpu.memory_space<hbm>> -> memref<4096xf32, #tpu.memory_space<hbm>>
        tpu.enqueue_dma source(%dma_start3A_165 : memref<4096xf32, #tpu.memory_space<hbm>>) target(%dma_start3A_163 : memref<4096xf32, #tpu.memory_space<hbm>>) target_semaphore(%run_scoped3A : memref<!tpu.dma_semaphore, #tpu.memory_space<semaphore_mem>>)
        %dma_wait3A = arith.constant 768 : i32
        %dma_wait3A_166 = tpu.memref_slice %arg10[%dma_wait3A] : memref<118272xf32, #tpu.memory_space<hbm>> -> memref<4096xf32, #tpu.memory_space<hbm>>
        %dma_wait3A_167 = arith.constant 0 : i32
        %dma_wait3A_168 = tpu.memref_slice %arg3[%dma_wait3A_167] : memref<9216xf32, #tpu.memory_space<hbm>> -> memref<4096xf32, #tpu.memory_space<hbm>>
        tpu.wait_dma2 semaphore(%run_scoped3A : memref<!tpu.dma_semaphore, #tpu.memory_space<semaphore_mem>>) src(%dma_wait3A_168 : memref<4096xf32, #tpu.memory_space<hbm>>) dst(%dma_wait3A_166 : memref<4096xf32, #tpu.memory_space<hbm>>)
        tpu.yield
      }) : () -> ()
    } else {
    }
    %eq3A_8 = arith.constant 2 : i32
    %eq3A_9 = arith.cmpi eq, %add3A, %eq3A_8 : i32
    %convert_element_type3A_10 = arith.extui %eq3A_9 : i1 to i32
    %cond3A_11 = arith.constant 0 : i32
    %cond3A_12 = arith.cmpi ne, %convert_element_type3A_10, %cond3A_11 : i32
    scf.if %cond3A_12 {
      "tpu.region"() ({
        %run_scoped3A = tpu.sem_alloc : memref<!tpu.dma_semaphore, #tpu.memory_space<semaphore_mem>>
        %dma_start3A = arith.constant 4864 : i32
        %dma_start3A_163 = tpu.memref_slice %arg10[%dma_start3A] : memref<118272xf32, #tpu.memory_space<hbm>> -> memref<4096xf32, #tpu.memory_space<hbm>>
        %dma_start3A_164 = arith.constant 4096 : i32
        %dma_start3A_165 = tpu.memref_slice %arg3[%dma_start3A_164] : memref<9216xf32, #tpu.memory_space<hbm>> -> memref<4096xf32, #tpu.memory_space<hbm>>
        tpu.enqueue_dma source(%dma_start3A_165 : memref<4096xf32, #tpu.memory_space<hbm>>) target(%dma_start3A_163 : memref<4096xf32, #tpu.memory_space<hbm>>) target_semaphore(%run_scoped3A : memref<!tpu.dma_semaphore, #tpu.memory_space<semaphore_mem>>)
        %dma_wait3A = arith.constant 4864 : i32
        %dma_wait3A_166 = tpu.memref_slice %arg10[%dma_wait3A] : memref<118272xf32, #tpu.memory_space<hbm>> -> memref<4096xf32, #tpu.memory_space<hbm>>
        %dma_wait3A_167 = arith.constant 4096 : i32
        %dma_wait3A_168 = tpu.memref_slice %arg3[%dma_wait3A_167] : memref<9216xf32, #tpu.memory_space<hbm>> -> memref<4096xf32, #tpu.memory_space<hbm>>
        tpu.wait_dma2 semaphore(%run_scoped3A : memref<!tpu.dma_semaphore, #tpu.memory_space<semaphore_mem>>) src(%dma_wait3A_168 : memref<4096xf32, #tpu.memory_space<hbm>>) dst(%dma_wait3A_166 : memref<4096xf32, #tpu.memory_space<hbm>>)
        tpu.yield
      }) : () -> ()
    } else {
    }
    %eq3A_13 = arith.constant 3 : i32
    %eq3A_14 = arith.cmpi eq, %add3A, %eq3A_13 : i32
    %convert_element_type3A_15 = arith.extui %eq3A_14 : i1 to i32
    %cond3A_16 = arith.constant 0 : i32
    %cond3A_17 = arith.cmpi ne, %convert_element_type3A_15, %cond3A_16 : i32
    scf.if %cond3A_17 {
      "tpu.region"() ({
        %run_scoped3A = tpu.sem_alloc : memref<!tpu.dma_semaphore, #tpu.memory_space<semaphore_mem>>
        %dma_start3A = arith.constant 8960 : i32
        %dma_start3A_163 = tpu.memref_slice %arg10[%dma_start3A] : memref<118272xf32, #tpu.memory_space<hbm>> -> memref<1024xf32, #tpu.memory_space<hbm>>
        %dma_start3A_164 = arith.constant 8192 : i32
        %dma_start3A_165 = tpu.memref_slice %arg3[%dma_start3A_164] : memref<9216xf32, #tpu.memory_space<hbm>> -> memref<1024xf32, #tpu.memory_space<hbm>>
        tpu.enqueue_dma source(%dma_start3A_165 : memref<1024xf32, #tpu.memory_space<hbm>>) target(%dma_start3A_163 : memref<1024xf32, #tpu.memory_space<hbm>>) target_semaphore(%run_scoped3A : memref<!tpu.dma_semaphore, #tpu.memory_space<semaphore_mem>>)
        %dma_wait3A = arith.constant 8960 : i32
        %dma_wait3A_166 = tpu.memref_slice %arg10[%dma_wait3A] : memref<118272xf32, #tpu.memory_space<hbm>> -> memref<1024xf32, #tpu.memory_space<hbm>>
        %dma_wait3A_167 = arith.constant 8192 : i32
        %dma_wait3A_168 = tpu.memref_slice %arg3[%dma_wait3A_167] : memref<9216xf32, #tpu.memory_space<hbm>> -> memref<1024xf32, #tpu.memory_space<hbm>>
        tpu.wait_dma2 semaphore(%run_scoped3A : memref<!tpu.dma_semaphore, #tpu.memory_space<semaphore_mem>>) src(%dma_wait3A_168 : memref<1024xf32, #tpu.memory_space<hbm>>) dst(%dma_wait3A_166 : memref<1024xf32, #tpu.memory_space<hbm>>)
        tpu.yield
      }) : () -> ()
    } else {
    }
    %eq3A_18 = arith.constant 4 : i32
    %eq3A_19 = arith.cmpi eq, %add3A, %eq3A_18 : i32
    %convert_element_type3A_20 = arith.extui %eq3A_19 : i1 to i32
    %cond3A_21 = arith.constant 0 : i32
    %cond3A_22 = arith.cmpi ne, %convert_element_type3A_20, %cond3A_21 : i32
    scf.if %cond3A_22 {
      "tpu.region"() ({
        %run_scoped3A = tpu.sem_alloc : memref<!tpu.dma_semaphore, #tpu.memory_space<semaphore_mem>>
        %dma_start3A = arith.constant 9984 : i32
        %dma_start3A_163 = tpu.memref_slice %arg10[%dma_start3A] : memref<118272xf32, #tpu.memory_space<hbm>> -> memref<4096xf32, #tpu.memory_space<hbm>>
        %dma_start3A_164 = arith.constant 0 : i32
        %dma_start3A_165 = tpu.memref_slice %arg4[%dma_start3A_164] : memref<49152xf32, #tpu.memory_space<hbm>> -> memref<4096xf32, #tpu.memory_space<hbm>>
        tpu.enqueue_dma source(%dma_start3A_165 : memref<4096xf32, #tpu.memory_space<hbm>>) target(%dma_start3A_163 : memref<4096xf32, #tpu.memory_space<hbm>>) target_semaphore(%run_scoped3A : memref<!tpu.dma_semaphore, #tpu.memory_space<semaphore_mem>>)
        %dma_wait3A = arith.constant 9984 : i32
        %dma_wait3A_166 = tpu.memref_slice %arg10[%dma_wait3A] : memref<118272xf32, #tpu.memory_space<hbm>> -> memref<4096xf32, #tpu.memory_space<hbm>>
        %dma_wait3A_167 = arith.constant 0 : i32
        %dma_wait3A_168 = tpu.memref_slice %arg4[%dma_wait3A_167] : memref<49152xf32, #tpu.memory_space<hbm>> -> memref<4096xf32, #tpu.memory_space<hbm>>
        tpu.wait_dma2 semaphore(%run_scoped3A : memref<!tpu.dma_semaphore, #tpu.memory_space<semaphore_mem>>) src(%dma_wait3A_168 : memref<4096xf32, #tpu.memory_space<hbm>>) dst(%dma_wait3A_166 : memref<4096xf32, #tpu.memory_space<hbm>>)
        tpu.yield
      }) : () -> ()
    } else {
    }
    %eq3A_23 = arith.constant 5 : i32
    %eq3A_24 = arith.cmpi eq, %add3A, %eq3A_23 : i32
    %convert_element_type3A_25 = arith.extui %eq3A_24 : i1 to i32
    %cond3A_26 = arith.constant 0 : i32
    %cond3A_27 = arith.cmpi ne, %convert_element_type3A_25, %cond3A_26 : i32
    scf.if %cond3A_27 {
      "tpu.region"() ({
        %run_scoped3A = tpu.sem_alloc : memref<!tpu.dma_semaphore, #tpu.memory_space<semaphore_mem>>
        %dma_start3A = arith.constant 14080 : i32
        %dma_start3A_163 = tpu.memref_slice %arg10[%dma_start3A] : memref<118272xf32, #tpu.memory_space<hbm>> -> memref<4096xf32, #tpu.memory_space<hbm>>
        %dma_start3A_164 = arith.constant 4096 : i32
        %dma_start3A_165 = tpu.memref_slice %arg4[%dma_start3A_164] : memref<49152xf32, #tpu.memory_space<hbm>> -> memref<4096xf32, #tpu.memory_space<hbm>>
        tpu.enqueue_dma source(%dma_start3A_165 : memref<4096xf32, #tpu.memory_space<hbm>>) target(%dma_start3A_163 : memref<4096xf32, #tpu.memory_space<hbm>>) target_semaphore(%run_scoped3A : memref<!tpu.dma_semaphore, #tpu.memory_space<semaphore_mem>>)
        %dma_wait3A = arith.constant 14080 : i32
        %dma_wait3A_166 = tpu.memref_slice %arg10[%dma_wait3A] : memref<118272xf32, #tpu.memory_space<hbm>> -> memref<4096xf32, #tpu.memory_space<hbm>>
        %dma_wait3A_167 = arith.constant 4096 : i32
        %dma_wait3A_168 = tpu.memref_slice %arg4[%dma_wait3A_167] : memref<49152xf32, #tpu.memory_space<hbm>> -> memref<4096xf32, #tpu.memory_space<hbm>>
        tpu.wait_dma2 semaphore(%run_scoped3A : memref<!tpu.dma_semaphore, #tpu.memory_space<semaphore_mem>>) src(%dma_wait3A_168 : memref<4096xf32, #tpu.memory_space<hbm>>) dst(%dma_wait3A_166 : memref<4096xf32, #tpu.memory_space<hbm>>)
        tpu.yield
      }) : () -> ()
    } else {
    }
    %eq3A_28 = arith.constant 6 : i32
    %eq3A_29 = arith.cmpi eq, %add3A, %eq3A_28 : i32
    %convert_element_type3A_30 = arith.extui %eq3A_29 : i1 to i32
    %cond3A_31 = arith.constant 0 : i32
    %cond3A_32 = arith.cmpi ne, %convert_element_type3A_30, %cond3A_31 : i32
    scf.if %cond3A_32 {
      "tpu.region"() ({
        %run_scoped3A = tpu.sem_alloc : memref<!tpu.dma_semaphore, #tpu.memory_space<semaphore_mem>>
        %dma_start3A = arith.constant 18176 : i32
        %dma_start3A_163 = tpu.memref_slice %arg10[%dma_start3A] : memref<118272xf32, #tpu.memory_space<hbm>> -> memref<4096xf32, #tpu.memory_space<hbm>>
        %dma_start3A_164 = arith.constant 8192 : i32
        %dma_start3A_165 = tpu.memref_slice %arg4[%dma_start3A_164] : memref<49152xf32, #tpu.memory_space<hbm>> -> memref<4096xf32, #tpu.memory_space<hbm>>
        tpu.enqueue_dma source(%dma_start3A_165 : memref<4096xf32, #tpu.memory_space<hbm>>) target(%dma_start3A_163 : memref<4096xf32, #tpu.memory_space<hbm>>) target_semaphore(%run_scoped3A : memref<!tpu.dma_semaphore, #tpu.memory_space<semaphore_mem>>)
        %dma_wait3A = arith.constant 18176 : i32
        %dma_wait3A_166 = tpu.memref_slice %arg10[%dma_wait3A] : memref<118272xf32, #tpu.memory_space<hbm>> -> memref<4096xf32, #tpu.memory_space<hbm>>
        %dma_wait3A_167 = arith.constant 8192 : i32
        %dma_wait3A_168 = tpu.memref_slice %arg4[%dma_wait3A_167] : memref<49152xf32, #tpu.memory_space<hbm>> -> memref<4096xf32, #tpu.memory_space<hbm>>
        tpu.wait_dma2 semaphore(%run_scoped3A : memref<!tpu.dma_semaphore, #tpu.memory_space<semaphore_mem>>) src(%dma_wait3A_168 : memref<4096xf32, #tpu.memory_space<hbm>>) dst(%dma_wait3A_166 : memref<4096xf32, #tpu.memory_space<hbm>>)
        tpu.yield
      }) : () -> ()
    } else {
    }
    %eq3A_33 = arith.constant 7 : i32
    %eq3A_34 = arith.cmpi eq, %add3A, %eq3A_33 : i32
    %convert_element_type3A_35 = arith.extui %eq3A_34 : i1 to i32
    %cond3A_36 = arith.constant 0 : i32
    %cond3A_37 = arith.cmpi ne, %convert_element_type3A_35, %cond3A_36 : i32
    scf.if %cond3A_37 {
      "tpu.region"() ({
        %run_scoped3A = tpu.sem_alloc : memref<!tpu.dma_semaphore, #tpu.memory_space<semaphore_mem>>
        %dma_start3A = arith.constant 22272 : i32
        %dma_start3A_163 = tpu.memref_slice %arg10[%dma_start3A] : memref<118272xf32, #tpu.memory_space<hbm>> -> memref<4096xf32, #tpu.memory_space<hbm>>
        %dma_start3A_164 = arith.constant 12288 : i32
        %dma_start3A_165 = tpu.memref_slice %arg4[%dma_start3A_164] : memref<49152xf32, #tpu.memory_space<hbm>> -> memref<4096xf32, #tpu.memory_space<hbm>>
        tpu.enqueue_dma source(%dma_start3A_165 : memref<4096xf32, #tpu.memory_space<hbm>>) target(%dma_start3A_163 : memref<4096xf32, #tpu.memory_space<hbm>>) target_semaphore(%run_scoped3A : memref<!tpu.dma_semaphore, #tpu.memory_space<semaphore_mem>>)
        %dma_wait3A = arith.constant 22272 : i32
        %dma_wait3A_166 = tpu.memref_slice %arg10[%dma_wait3A] : memref<118272xf32, #tpu.memory_space<hbm>> -> memref<4096xf32, #tpu.memory_space<hbm>>
        %dma_wait3A_167 = arith.constant 12288 : i32
        %dma_wait3A_168 = tpu.memref_slice %arg4[%dma_wait3A_167] : memref<49152xf32, #tpu.memory_space<hbm>> -> memref<4096xf32, #tpu.memory_space<hbm>>
        tpu.wait_dma2 semaphore(%run_scoped3A : memref<!tpu.dma_semaphore, #tpu.memory_space<semaphore_mem>>) src(%dma_wait3A_168 : memref<4096xf32, #tpu.memory_space<hbm>>) dst(%dma_wait3A_166 : memref<4096xf32, #tpu.memory_space<hbm>>)
        tpu.yield
      }) : () -> ()
    } else {
    }
    %eq3A_38 = arith.constant 8 : i32
    %eq3A_39 = arith.cmpi eq, %add3A, %eq3A_38 : i32
    %convert_element_type3A_40 = arith.extui %eq3A_39 : i1 to i32
    %cond3A_41 = arith.constant 0 : i32
    %cond3A_42 = arith.cmpi ne, %convert_element_type3A_40, %cond3A_41 : i32
    scf.if %cond3A_42 {
      "tpu.region"() ({
        %run_scoped3A = tpu.sem_alloc : memref<!tpu.dma_semaphore, #tpu.memory_space<semaphore_mem>>
        %dma_start3A = arith.constant 26368 : i32
        %dma_start3A_163 = tpu.memref_slice %arg10[%dma_start3A] : memref<118272xf32, #tpu.memory_space<hbm>> -> memref<4096xf32, #tpu.memory_space<hbm>>
        %dma_start3A_164 = arith.constant 16384 : i32
        %dma_start3A_165 = tpu.memref_slice %arg4[%dma_start3A_164] : memref<49152xf32, #tpu.memory_space<hbm>> -> memref<4096xf32, #tpu.memory_space<hbm>>
        tpu.enqueue_dma source(%dma_start3A_165 : memref<4096xf32, #tpu.memory_space<hbm>>) target(%dma_start3A_163 : memref<4096xf32, #tpu.memory_space<hbm>>) target_semaphore(%run_scoped3A : memref<!tpu.dma_semaphore, #tpu.memory_space<semaphore_mem>>)
        %dma_wait3A = arith.constant 26368 : i32
        %dma_wait3A_166 = tpu.memref_slice %arg10[%dma_wait3A] : memref<118272xf32, #tpu.memory_space<hbm>> -> memref<4096xf32, #tpu.memory_space<hbm>>
        %dma_wait3A_167 = arith.constant 16384 : i32
        %dma_wait3A_168 = tpu.memref_slice %arg4[%dma_wait3A_167] : memref<49152xf32, #tpu.memory_space<hbm>> -> memref<4096xf32, #tpu.memory_space<hbm>>
        tpu.wait_dma2 semaphore(%run_scoped3A : memref<!tpu.dma_semaphore, #tpu.memory_space<semaphore_mem>>) src(%dma_wait3A_168 : memref<4096xf32, #tpu.memory_space<hbm>>) dst(%dma_wait3A_166 : memref<4096xf32, #tpu.memory_space<hbm>>)
        tpu.yield
      }) : () -> ()
    } else {
    }
    %eq3A_43 = arith.constant 9 : i32
    %eq3A_44 = arith.cmpi eq, %add3A, %eq3A_43 : i32
    %convert_element_type3A_45 = arith.extui %eq3A_44 : i1 to i32
    %cond3A_46 = arith.constant 0 : i32
    %cond3A_47 = arith.cmpi ne, %convert_element_type3A_45, %cond3A_46 : i32
    scf.if %cond3A_47 {
      "tpu.region"() ({
        %run_scoped3A = tpu.sem_alloc : memref<!tpu.dma_semaphore, #tpu.memory_space<semaphore_mem>>
        %dma_start3A = arith.constant 30464 : i32
        %dma_start3A_163 = tpu.memref_slice %arg10[%dma_start3A] : memref<118272xf32, #tpu.memory_space<hbm>> -> memref<4096xf32, #tpu.memory_space<hbm>>
        %dma_start3A_164 = arith.constant 20480 : i32
        %dma_start3A_165 = tpu.memref_slice %arg4[%dma_start3A_164] : memref<49152xf32, #tpu.memory_space<hbm>> -> memref<4096xf32, #tpu.memory_space<hbm>>
        tpu.enqueue_dma source(%dma_start3A_165 : memref<4096xf32, #tpu.memory_space<hbm>>) target(%dma_start3A_163 : memref<4096xf32, #tpu.memory_space<hbm>>) target_semaphore(%run_scoped3A : memref<!tpu.dma_semaphore, #tpu.memory_space<semaphore_mem>>)
        %dma_wait3A = arith.constant 30464 : i32
        %dma_wait3A_166 = tpu.memref_slice %arg10[%dma_wait3A] : memref<118272xf32, #tpu.memory_space<hbm>> -> memref<4096xf32, #tpu.memory_space<hbm>>
        %dma_wait3A_167 = arith.constant 20480 : i32
        %dma_wait3A_168 = tpu.memref_slice %arg4[%dma_wait3A_167] : memref<49152xf32, #tpu.memory_space<hbm>> -> memref<4096xf32, #tpu.memory_space<hbm>>
        tpu.wait_dma2 semaphore(%run_scoped3A : memref<!tpu.dma_semaphore, #tpu.memory_space<semaphore_mem>>) src(%dma_wait3A_168 : memref<4096xf32, #tpu.memory_space<hbm>>) dst(%dma_wait3A_166 : memref<4096xf32, #tpu.memory_space<hbm>>)
        tpu.yield
      }) : () -> ()
    } else {
    }
    %eq3A_48 = arith.constant 10 : i32
    %eq3A_49 = arith.cmpi eq, %add3A, %eq3A_48 : i32
    %convert_element_type3A_50 = arith.extui %eq3A_49 : i1 to i32
    %cond3A_51 = arith.constant 0 : i32
    %cond3A_52 = arith.cmpi ne, %convert_element_type3A_50, %cond3A_51 : i32
    scf.if %cond3A_52 {
      "tpu.region"() ({
        %run_scoped3A = tpu.sem_alloc : memref<!tpu.dma_semaphore, #tpu.memory_space<semaphore_mem>>
        %dma_start3A = arith.constant 34560 : i32
        %dma_start3A_163 = tpu.memref_slice %arg10[%dma_start3A] : memref<118272xf32, #tpu.memory_space<hbm>> -> memref<4096xf32, #tpu.memory_space<hbm>>
        %dma_start3A_164 = arith.constant 24576 : i32
        %dma_start3A_165 = tpu.memref_slice %arg4[%dma_start3A_164] : memref<49152xf32, #tpu.memory_space<hbm>> -> memref<4096xf32, #tpu.memory_space<hbm>>
        tpu.enqueue_dma source(%dma_start3A_165 : memref<4096xf32, #tpu.memory_space<hbm>>) target(%dma_start3A_163 : memref<4096xf32, #tpu.memory_space<hbm>>) target_semaphore(%run_scoped3A : memref<!tpu.dma_semaphore, #tpu.memory_space<semaphore_mem>>)
        %dma_wait3A = arith.constant 34560 : i32
        %dma_wait3A_166 = tpu.memref_slice %arg10[%dma_wait3A] : memref<118272xf32, #tpu.memory_space<hbm>> -> memref<4096xf32, #tpu.memory_space<hbm>>
        %dma_wait3A_167 = arith.constant 24576 : i32
        %dma_wait3A_168 = tpu.memref_slice %arg4[%dma_wait3A_167] : memref<49152xf32, #tpu.memory_space<hbm>> -> memref<4096xf32, #tpu.memory_space<hbm>>
        tpu.wait_dma2 semaphore(%run_scoped3A : memref<!tpu.dma_semaphore, #tpu.memory_space<semaphore_mem>>) src(%dma_wait3A_168 : memref<4096xf32, #tpu.memory_space<hbm>>) dst(%dma_wait3A_166 : memref<4096xf32, #tpu.memory_space<hbm>>)
        tpu.yield
      }) : () -> ()
    } else {
    }
    %eq3A_53 = arith.constant 11 : i32
    %eq3A_54 = arith.cmpi eq, %add3A, %eq3A_53 : i32
    %convert_element_type3A_55 = arith.extui %eq3A_54 : i1 to i32
    %cond3A_56 = arith.constant 0 : i32
    %cond3A_57 = arith.cmpi ne, %convert_element_type3A_55, %cond3A_56 : i32
    scf.if %cond3A_57 {
      "tpu.region"() ({
        %run_scoped3A = tpu.sem_alloc : memref<!tpu.dma_semaphore, #tpu.memory_space<semaphore_mem>>
        %dma_start3A = arith.constant 38656 : i32
        %dma_start3A_163 = tpu.memref_slice %arg10[%dma_start3A] : memref<118272xf32, #tpu.memory_space<hbm>> -> memref<4096xf32, #tpu.memory_space<hbm>>
        %dma_start3A_164 = arith.constant 28672 : i32
        %dma_start3A_165 = tpu.memref_slice %arg4[%dma_start3A_164] : memref<49152xf32, #tpu.memory_space<hbm>> -> memref<4096xf32, #tpu.memory_space<hbm>>
        tpu.enqueue_dma source(%dma_start3A_165 : memref<4096xf32, #tpu.memory_space<hbm>>) target(%dma_start3A_163 : memref<4096xf32, #tpu.memory_space<hbm>>) target_semaphore(%run_scoped3A : memref<!tpu.dma_semaphore, #tpu.memory_space<semaphore_mem>>)
        %dma_wait3A = arith.constant 38656 : i32
        %dma_wait3A_166 = tpu.memref_slice %arg10[%dma_wait3A] : memref<118272xf32, #tpu.memory_space<hbm>> -> memref<4096xf32, #tpu.memory_space<hbm>>
        %dma_wait3A_167 = arith.constant 28672 : i32
        %dma_wait3A_168 = tpu.memref_slice %arg4[%dma_wait3A_167] : memref<49152xf32, #tpu.memory_space<hbm>> -> memref<4096xf32, #tpu.memory_space<hbm>>
        tpu.wait_dma2 semaphore(%run_scoped3A : memref<!tpu.dma_semaphore, #tpu.memory_space<semaphore_mem>>) src(%dma_wait3A_168 : memref<4096xf32, #tpu.memory_space<hbm>>) dst(%dma_wait3A_166 : memref<4096xf32, #tpu.memory_space<hbm>>)
        tpu.yield
      }) : () -> ()
    } else {
    }
    %eq3A_58 = arith.constant 12 : i32
    %eq3A_59 = arith.cmpi eq, %add3A, %eq3A_58 : i32
    %convert_element_type3A_60 = arith.extui %eq3A_59 : i1 to i32
    %cond3A_61 = arith.constant 0 : i32
    %cond3A_62 = arith.cmpi ne, %convert_element_type3A_60, %cond3A_61 : i32
    scf.if %cond3A_62 {
      "tpu.region"() ({
        %run_scoped3A = tpu.sem_alloc : memref<!tpu.dma_semaphore, #tpu.memory_space<semaphore_mem>>
        %dma_start3A = arith.constant 42752 : i32
        %dma_start3A_163 = tpu.memref_slice %arg10[%dma_start3A] : memref<118272xf32, #tpu.memory_space<hbm>> -> memref<4096xf32, #tpu.memory_space<hbm>>
        %dma_start3A_164 = arith.constant 32768 : i32
        %dma_start3A_165 = tpu.memref_slice %arg4[%dma_start3A_164] : memref<49152xf32, #tpu.memory_space<hbm>> -> memref<4096xf32, #tpu.memory_space<hbm>>
        tpu.enqueue_dma source(%dma_start3A_165 : memref<4096xf32, #tpu.memory_space<hbm>>) target(%dma_start3A_163 : memref<4096xf32, #tpu.memory_space<hbm>>) target_semaphore(%run_scoped3A : memref<!tpu.dma_semaphore, #tpu.memory_space<semaphore_mem>>)
        %dma_wait3A = arith.constant 42752 : i32
        %dma_wait3A_166 = tpu.memref_slice %arg10[%dma_wait3A] : memref<118272xf32, #tpu.memory_space<hbm>> -> memref<4096xf32, #tpu.memory_space<hbm>>
        %dma_wait3A_167 = arith.constant 32768 : i32
        %dma_wait3A_168 = tpu.memref_slice %arg4[%dma_wait3A_167] : memref<49152xf32, #tpu.memory_space<hbm>> -> memref<4096xf32, #tpu.memory_space<hbm>>
        tpu.wait_dma2 semaphore(%run_scoped3A : memref<!tpu.dma_semaphore, #tpu.memory_space<semaphore_mem>>) src(%dma_wait3A_168 : memref<4096xf32, #tpu.memory_space<hbm>>) dst(%dma_wait3A_166 : memref<4096xf32, #tpu.memory_space<hbm>>)
        tpu.yield
      }) : () -> ()
    } else {
    }
    %eq3A_63 = arith.constant 13 : i32
    %eq3A_64 = arith.cmpi eq, %add3A, %eq3A_63 : i32
    %convert_element_type3A_65 = arith.extui %eq3A_64 : i1 to i32
    %cond3A_66 = arith.constant 0 : i32
    %cond3A_67 = arith.cmpi ne, %convert_element_type3A_65, %cond3A_66 : i32
    scf.if %cond3A_67 {
      "tpu.region"() ({
        %run_scoped3A = tpu.sem_alloc : memref<!tpu.dma_semaphore, #tpu.memory_space<semaphore_mem>>
        %dma_start3A = arith.constant 46848 : i32
        %dma_start3A_163 = tpu.memref_slice %arg10[%dma_start3A] : memref<118272xf32, #tpu.memory_space<hbm>> -> memref<4096xf32, #tpu.memory_space<hbm>>
        %dma_start3A_164 = arith.constant 36864 : i32
        %dma_start3A_165 = tpu.memref_slice %arg4[%dma_start3A_164] : memref<49152xf32, #tpu.memory_space<hbm>> -> memref<4096xf32, #tpu.memory_space<hbm>>
        tpu.enqueue_dma source(%dma_start3A_165 : memref<4096xf32, #tpu.memory_space<hbm>>) target(%dma_start3A_163 : memref<4096xf32, #tpu.memory_space<hbm>>) target_semaphore(%run_scoped3A : memref<!tpu.dma_semaphore, #tpu.memory_space<semaphore_mem>>)
        %dma_wait3A = arith.constant 46848 : i32
        %dma_wait3A_166 = tpu.memref_slice %arg10[%dma_wait3A] : memref<118272xf32, #tpu.memory_space<hbm>> -> memref<4096xf32, #tpu.memory_space<hbm>>
        %dma_wait3A_167 = arith.constant 36864 : i32
        %dma_wait3A_168 = tpu.memref_slice %arg4[%dma_wait3A_167] : memref<49152xf32, #tpu.memory_space<hbm>> -> memref<4096xf32, #tpu.memory_space<hbm>>
        tpu.wait_dma2 semaphore(%run_scoped3A : memref<!tpu.dma_semaphore, #tpu.memory_space<semaphore_mem>>) src(%dma_wait3A_168 : memref<4096xf32, #tpu.memory_space<hbm>>) dst(%dma_wait3A_166 : memref<4096xf32, #tpu.memory_space<hbm>>)
        tpu.yield
      }) : () -> ()
    } else {
    }
    %eq3A_68 = arith.constant 14 : i32
    %eq3A_69 = arith.cmpi eq, %add3A, %eq3A_68 : i32
    %convert_element_type3A_70 = arith.extui %eq3A_69 : i1 to i32
    %cond3A_71 = arith.constant 0 : i32
    %cond3A_72 = arith.cmpi ne, %convert_element_type3A_70, %cond3A_71 : i32
    scf.if %cond3A_72 {
      "tpu.region"() ({
        %run_scoped3A = tpu.sem_alloc : memref<!tpu.dma_semaphore, #tpu.memory_space<semaphore_mem>>
        %dma_start3A = arith.constant 50944 : i32
        %dma_start3A_163 = tpu.memref_slice %arg10[%dma_start3A] : memref<118272xf32, #tpu.memory_space<hbm>> -> memref<4096xf32, #tpu.memory_space<hbm>>
        %dma_start3A_164 = arith.constant 40960 : i32
        %dma_start3A_165 = tpu.memref_slice %arg4[%dma_start3A_164] : memref<49152xf32, #tpu.memory_space<hbm>> -> memref<4096xf32, #tpu.memory_space<hbm>>
        tpu.enqueue_dma source(%dma_start3A_165 : memref<4096xf32, #tpu.memory_space<hbm>>) target(%dma_start3A_163 : memref<4096xf32, #tpu.memory_space<hbm>>) target_semaphore(%run_scoped3A : memref<!tpu.dma_semaphore, #tpu.memory_space<semaphore_mem>>)
        %dma_wait3A = arith.constant 50944 : i32
        %dma_wait3A_166 = tpu.memref_slice %arg10[%dma_wait3A] : memref<118272xf32, #tpu.memory_space<hbm>> -> memref<4096xf32, #tpu.memory_space<hbm>>
        %dma_wait3A_167 = arith.constant 40960 : i32
        %dma_wait3A_168 = tpu.memref_slice %arg4[%dma_wait3A_167] : memref<49152xf32, #tpu.memory_space<hbm>> -> memref<4096xf32, #tpu.memory_space<hbm>>
        tpu.wait_dma2 semaphore(%run_scoped3A : memref<!tpu.dma_semaphore, #tpu.memory_space<semaphore_mem>>) src(%dma_wait3A_168 : memref<4096xf32, #tpu.memory_space<hbm>>) dst(%dma_wait3A_166 : memref<4096xf32, #tpu.memory_space<hbm>>)
        tpu.yield
      }) : () -> ()
    } else {
    }
    %eq3A_73 = arith.constant 15 : i32
    %eq3A_74 = arith.cmpi eq, %add3A, %eq3A_73 : i32
    %convert_element_type3A_75 = arith.extui %eq3A_74 : i1 to i32
    %cond3A_76 = arith.constant 0 : i32
    %cond3A_77 = arith.cmpi ne, %convert_element_type3A_75, %cond3A_76 : i32
    scf.if %cond3A_77 {
      "tpu.region"() ({
        %run_scoped3A = tpu.sem_alloc : memref<!tpu.dma_semaphore, #tpu.memory_space<semaphore_mem>>
        %dma_start3A = arith.constant 55040 : i32
        %dma_start3A_163 = tpu.memref_slice %arg10[%dma_start3A] : memref<118272xf32, #tpu.memory_space<hbm>> -> memref<4096xf32, #tpu.memory_space<hbm>>
        %dma_start3A_164 = arith.constant 45056 : i32
        %dma_start3A_165 = tpu.memref_slice %arg4[%dma_start3A_164] : memref<49152xf32, #tpu.memory_space<hbm>> -> memref<4096xf32, #tpu.memory_space<hbm>>
        tpu.enqueue_dma source(%dma_start3A_165 : memref<4096xf32, #tpu.memory_space<hbm>>) target(%dma_start3A_163 : memref<4096xf32, #tpu.memory_space<hbm>>) target_semaphore(%run_scoped3A : memref<!tpu.dma_semaphore, #tpu.memory_space<semaphore_mem>>)
        %dma_wait3A = arith.constant 55040 : i32
        %dma_wait3A_166 = tpu.memref_slice %arg10[%dma_wait3A] : memref<118272xf32, #tpu.memory_space<hbm>> -> memref<4096xf32, #tpu.memory_space<hbm>>
        %dma_wait3A_167 = arith.constant 45056 : i32
        %dma_wait3A_168 = tpu.memref_slice %arg4[%dma_wait3A_167] : memref<49152xf32, #tpu.memory_space<hbm>> -> memref<4096xf32, #tpu.memory_space<hbm>>
        tpu.wait_dma2 semaphore(%run_scoped3A : memref<!tpu.dma_semaphore, #tpu.memory_space<semaphore_mem>>) src(%dma_wait3A_168 : memref<4096xf32, #tpu.memory_space<hbm>>) dst(%dma_wait3A_166 : memref<4096xf32, #tpu.memory_space<hbm>>)
        tpu.yield
      }) : () -> ()
    } else {
    }
    %eq3A_78 = arith.constant 16 : i32
    %eq3A_79 = arith.cmpi eq, %add3A, %eq3A_78 : i32
    %convert_element_type3A_80 = arith.extui %eq3A_79 : i1 to i32
    %cond3A_81 = arith.constant 0 : i32
    %cond3A_82 = arith.cmpi ne, %convert_element_type3A_80, %cond3A_81 : i32
    scf.if %cond3A_82 {
      "tpu.region"() ({
        %run_scoped3A = tpu.sem_alloc : memref<!tpu.dma_semaphore, #tpu.memory_space<semaphore_mem>>
        %dma_start3A = arith.constant 59136 : i32
        %dma_start3A_163 = tpu.memref_slice %arg10[%dma_start3A] : memref<118272xf32, #tpu.memory_space<hbm>> -> memref<768xf32, #tpu.memory_space<hbm>>
        %dma_start3A_164 = arith.constant 0 : i32
        %dma_start3A_165 = tpu.memref_slice %arg5[%dma_start3A_164] : memref<768xf32, #tpu.memory_space<hbm>> -> memref<768xf32, #tpu.memory_space<hbm>>
        tpu.enqueue_dma source(%dma_start3A_165 : memref<768xf32, #tpu.memory_space<hbm>>) target(%dma_start3A_163 : memref<768xf32, #tpu.memory_space<hbm>>) target_semaphore(%run_scoped3A : memref<!tpu.dma_semaphore, #tpu.memory_space<semaphore_mem>>)
        %dma_wait3A = arith.constant 59136 : i32
        %dma_wait3A_166 = tpu.memref_slice %arg10[%dma_wait3A] : memref<118272xf32, #tpu.memory_space<hbm>> -> memref<768xf32, #tpu.memory_space<hbm>>
        %dma_wait3A_167 = arith.constant 0 : i32
        %dma_wait3A_168 = tpu.memref_slice %arg5[%dma_wait3A_167] : memref<768xf32, #tpu.memory_space<hbm>> -> memref<768xf32, #tpu.memory_space<hbm>>
        tpu.wait_dma2 semaphore(%run_scoped3A : memref<!tpu.dma_semaphore, #tpu.memory_space<semaphore_mem>>) src(%dma_wait3A_168 : memref<768xf32, #tpu.memory_space<hbm>>) dst(%dma_wait3A_166 : memref<768xf32, #tpu.memory_space<hbm>>)
        tpu.yield
      }) : () -> ()
    } else {
    }
    %eq3A_83 = arith.constant 17 : i32
    %eq3A_84 = arith.cmpi eq, %add3A, %eq3A_83 : i32
    %convert_element_type3A_85 = arith.extui %eq3A_84 : i1 to i32
    %cond3A_86 = arith.constant 0 : i32
    %cond3A_87 = arith.cmpi ne, %convert_element_type3A_85, %cond3A_86 : i32
    scf.if %cond3A_87 {
      "tpu.region"() ({
        %run_scoped3A = tpu.sem_alloc : memref<!tpu.dma_semaphore, #tpu.memory_space<semaphore_mem>>
        %dma_start3A = arith.constant 59904 : i32
        %dma_start3A_163 = tpu.memref_slice %arg10[%dma_start3A] : memref<118272xf32, #tpu.memory_space<hbm>> -> memref<4096xf32, #tpu.memory_space<hbm>>
        %dma_start3A_164 = arith.constant 0 : i32
        %dma_start3A_165 = tpu.memref_slice %arg6[%dma_start3A_164] : memref<9216xf32, #tpu.memory_space<hbm>> -> memref<4096xf32, #tpu.memory_space<hbm>>
        tpu.enqueue_dma source(%dma_start3A_165 : memref<4096xf32, #tpu.memory_space<hbm>>) target(%dma_start3A_163 : memref<4096xf32, #tpu.memory_space<hbm>>) target_semaphore(%run_scoped3A : memref<!tpu.dma_semaphore, #tpu.memory_space<semaphore_mem>>)
        %dma_wait3A = arith.constant 59904 : i32
        %dma_wait3A_166 = tpu.memref_slice %arg10[%dma_wait3A] : memref<118272xf32, #tpu.memory_space<hbm>> -> memref<4096xf32, #tpu.memory_space<hbm>>
        %dma_wait3A_167 = arith.constant 0 : i32
        %dma_wait3A_168 = tpu.memref_slice %arg6[%dma_wait3A_167] : memref<9216xf32, #tpu.memory_space<hbm>> -> memref<4096xf32, #tpu.memory_space<hbm>>
        tpu.wait_dma2 semaphore(%run_scoped3A : memref<!tpu.dma_semaphore, #tpu.memory_space<semaphore_mem>>) src(%dma_wait3A_168 : memref<4096xf32, #tpu.memory_space<hbm>>) dst(%dma_wait3A_166 : memref<4096xf32, #tpu.memory_space<hbm>>)
        tpu.yield
      }) : () -> ()
    } else {
    }
    %eq3A_88 = arith.constant 18 : i32
    %eq3A_89 = arith.cmpi eq, %add3A, %eq3A_88 : i32
    %convert_element_type3A_90 = arith.extui %eq3A_89 : i1 to i32
    %cond3A_91 = arith.constant 0 : i32
    %cond3A_92 = arith.cmpi ne, %convert_element_type3A_90, %cond3A_91 : i32
    scf.if %cond3A_92 {
      "tpu.region"() ({
        %run_scoped3A = tpu.sem_alloc : memref<!tpu.dma_semaphore, #tpu.memory_space<semaphore_mem>>
        %dma_start3A = arith.constant 64000 : i32
        %dma_start3A_163 = tpu.memref_slice %arg10[%dma_start3A] : memref<118272xf32, #tpu.memory_space<hbm>> -> memref<4096xf32, #tpu.memory_space<hbm>>
        %dma_start3A_164 = arith.constant 4096 : i32
        %dma_start3A_165 = tpu.memref_slice %arg6[%dma_start3A_164] : memref<9216xf32, #tpu.memory_space<hbm>> -> memref<4096xf32, #tpu.memory_space<hbm>>
        tpu.enqueue_dma source(%dma_start3A_165 : memref<4096xf32, #tpu.memory_space<hbm>>) target(%dma_start3A_163 : memref<4096xf32, #tpu.memory_space<hbm>>) target_semaphore(%run_scoped3A : memref<!tpu.dma_semaphore, #tpu.memory_space<semaphore_mem>>)
        %dma_wait3A = arith.constant 64000 : i32
        %dma_wait3A_166 = tpu.memref_slice %arg10[%dma_wait3A] : memref<118272xf32, #tpu.memory_space<hbm>> -> memref<4096xf32, #tpu.memory_space<hbm>>
        %dma_wait3A_167 = arith.constant 4096 : i32
        %dma_wait3A_168 = tpu.memref_slice %arg6[%dma_wait3A_167] : memref<9216xf32, #tpu.memory_space<hbm>> -> memref<4096xf32, #tpu.memory_space<hbm>>
        tpu.wait_dma2 semaphore(%run_scoped3A : memref<!tpu.dma_semaphore, #tpu.memory_space<semaphore_mem>>) src(%dma_wait3A_168 : memref<4096xf32, #tpu.memory_space<hbm>>) dst(%dma_wait3A_166 : memref<4096xf32, #tpu.memory_space<hbm>>)
        tpu.yield
      }) : () -> ()
    } else {
    }
    %eq3A_93 = arith.constant 19 : i32
    %eq3A_94 = arith.cmpi eq, %add3A, %eq3A_93 : i32
    %convert_element_type3A_95 = arith.extui %eq3A_94 : i1 to i32
    %cond3A_96 = arith.constant 0 : i32
    %cond3A_97 = arith.cmpi ne, %convert_element_type3A_95, %cond3A_96 : i32
    scf.if %cond3A_97 {
      "tpu.region"() ({
        %run_scoped3A = tpu.sem_alloc : memref<!tpu.dma_semaphore, #tpu.memory_space<semaphore_mem>>
        %dma_start3A = arith.constant 68096 : i32
        %dma_start3A_163 = tpu.memref_slice %arg10[%dma_start3A] : memref<118272xf32, #tpu.memory_space<hbm>> -> memref<1024xf32, #tpu.memory_space<hbm>>
        %dma_start3A_164 = arith.constant 8192 : i32
        %dma_start3A_165 = tpu.memref_slice %arg6[%dma_start3A_164] : memref<9216xf32, #tpu.memory_space<hbm>> -> memref<1024xf32, #tpu.memory_space<hbm>>
        tpu.enqueue_dma source(%dma_start3A_165 : memref<1024xf32, #tpu.memory_space<hbm>>) target(%dma_start3A_163 : memref<1024xf32, #tpu.memory_space<hbm>>) target_semaphore(%run_scoped3A : memref<!tpu.dma_semaphore, #tpu.memory_space<semaphore_mem>>)
        %dma_wait3A = arith.constant 68096 : i32
        %dma_wait3A_166 = tpu.memref_slice %arg10[%dma_wait3A] : memref<118272xf32, #tpu.memory_space<hbm>> -> memref<1024xf32, #tpu.memory_space<hbm>>
        %dma_wait3A_167 = arith.constant 8192 : i32
        %dma_wait3A_168 = tpu.memref_slice %arg6[%dma_wait3A_167] : memref<9216xf32, #tpu.memory_space<hbm>> -> memref<1024xf32, #tpu.memory_space<hbm>>
        tpu.wait_dma2 semaphore(%run_scoped3A : memref<!tpu.dma_semaphore, #tpu.memory_space<semaphore_mem>>) src(%dma_wait3A_168 : memref<1024xf32, #tpu.memory_space<hbm>>) dst(%dma_wait3A_166 : memref<1024xf32, #tpu.memory_space<hbm>>)
        tpu.yield
      }) : () -> ()
    } else {
    }
    %eq3A_98 = arith.constant 20 : i32
    %eq3A_99 = arith.cmpi eq, %add3A, %eq3A_98 : i32
    %convert_element_type3A_100 = arith.extui %eq3A_99 : i1 to i32
    %cond3A_101 = arith.constant 0 : i32
    %cond3A_102 = arith.cmpi ne, %convert_element_type3A_100, %cond3A_101 : i32
    scf.if %cond3A_102 {
      "tpu.region"() ({
        %run_scoped3A = tpu.sem_alloc : memref<!tpu.dma_semaphore, #tpu.memory_space<semaphore_mem>>
        %dma_start3A = arith.constant 69120 : i32
        %dma_start3A_163 = tpu.memref_slice %arg10[%dma_start3A] : memref<118272xf32, #tpu.memory_space<hbm>> -> memref<4096xf32, #tpu.memory_space<hbm>>
        %dma_start3A_164 = arith.constant 0 : i32
        %dma_start3A_165 = tpu.memref_slice %arg7[%dma_start3A_164] : memref<49152xf32, #tpu.memory_space<hbm>> -> memref<4096xf32, #tpu.memory_space<hbm>>
        tpu.enqueue_dma source(%dma_start3A_165 : memref<4096xf32, #tpu.memory_space<hbm>>) target(%dma_start3A_163 : memref<4096xf32, #tpu.memory_space<hbm>>) target_semaphore(%run_scoped3A : memref<!tpu.dma_semaphore, #tpu.memory_space<semaphore_mem>>)
        %dma_wait3A = arith.constant 69120 : i32
        %dma_wait3A_166 = tpu.memref_slice %arg10[%dma_wait3A] : memref<118272xf32, #tpu.memory_space<hbm>> -> memref<4096xf32, #tpu.memory_space<hbm>>
        %dma_wait3A_167 = arith.constant 0 : i32
        %dma_wait3A_168 = tpu.memref_slice %arg7[%dma_wait3A_167] : memref<49152xf32, #tpu.memory_space<hbm>> -> memref<4096xf32, #tpu.memory_space<hbm>>
        tpu.wait_dma2 semaphore(%run_scoped3A : memref<!tpu.dma_semaphore, #tpu.memory_space<semaphore_mem>>) src(%dma_wait3A_168 : memref<4096xf32, #tpu.memory_space<hbm>>) dst(%dma_wait3A_166 : memref<4096xf32, #tpu.memory_space<hbm>>)
        tpu.yield
      }) : () -> ()
    } else {
    }
    %eq3A_103 = arith.constant 21 : i32
    %eq3A_104 = arith.cmpi eq, %add3A, %eq3A_103 : i32
    %convert_element_type3A_105 = arith.extui %eq3A_104 : i1 to i32
    %cond3A_106 = arith.constant 0 : i32
    %cond3A_107 = arith.cmpi ne, %convert_element_type3A_105, %cond3A_106 : i32
    scf.if %cond3A_107 {
      "tpu.region"() ({
        %run_scoped3A = tpu.sem_alloc : memref<!tpu.dma_semaphore, #tpu.memory_space<semaphore_mem>>
        %dma_start3A = arith.constant 73216 : i32
        %dma_start3A_163 = tpu.memref_slice %arg10[%dma_start3A] : memref<118272xf32, #tpu.memory_space<hbm>> -> memref<4096xf32, #tpu.memory_space<hbm>>
        %dma_start3A_164 = arith.constant 4096 : i32
        %dma_start3A_165 = tpu.memref_slice %arg7[%dma_start3A_164] : memref<49152xf32, #tpu.memory_space<hbm>> -> memref<4096xf32, #tpu.memory_space<hbm>>
        tpu.enqueue_dma source(%dma_start3A_165 : memref<4096xf32, #tpu.memory_space<hbm>>) target(%dma_start3A_163 : memref<4096xf32, #tpu.memory_space<hbm>>) target_semaphore(%run_scoped3A : memref<!tpu.dma_semaphore, #tpu.memory_space<semaphore_mem>>)
        %dma_wait3A = arith.constant 73216 : i32
        %dma_wait3A_166 = tpu.memref_slice %arg10[%dma_wait3A] : memref<118272xf32, #tpu.memory_space<hbm>> -> memref<4096xf32, #tpu.memory_space<hbm>>
        %dma_wait3A_167 = arith.constant 4096 : i32
        %dma_wait3A_168 = tpu.memref_slice %arg7[%dma_wait3A_167] : memref<49152xf32, #tpu.memory_space<hbm>> -> memref<4096xf32, #tpu.memory_space<hbm>>
        tpu.wait_dma2 semaphore(%run_scoped3A : memref<!tpu.dma_semaphore, #tpu.memory_space<semaphore_mem>>) src(%dma_wait3A_168 : memref<4096xf32, #tpu.memory_space<hbm>>) dst(%dma_wait3A_166 : memref<4096xf32, #tpu.memory_space<hbm>>)
        tpu.yield
      }) : () -> ()
    } else {
    }
    %eq3A_108 = arith.constant 22 : i32
    %eq3A_109 = arith.cmpi eq, %add3A, %eq3A_108 : i32
    %convert_element_type3A_110 = arith.extui %eq3A_109 : i1 to i32
    %cond3A_111 = arith.constant 0 : i32
    %cond3A_112 = arith.cmpi ne, %convert_element_type3A_110, %cond3A_111 : i32
    scf.if %cond3A_112 {
      "tpu.region"() ({
        %run_scoped3A = tpu.sem_alloc : memref<!tpu.dma_semaphore, #tpu.memory_space<semaphore_mem>>
        %dma_start3A = arith.constant 77312 : i32
        %dma_start3A_163 = tpu.memref_slice %arg10[%dma_start3A] : memref<118272xf32, #tpu.memory_space<hbm>> -> memref<4096xf32, #tpu.memory_space<hbm>>
        %dma_start3A_164 = arith.constant 8192 : i32
        %dma_start3A_165 = tpu.memref_slice %arg7[%dma_start3A_164] : memref<49152xf32, #tpu.memory_space<hbm>> -> memref<4096xf32, #tpu.memory_space<hbm>>
        tpu.enqueue_dma source(%dma_start3A_165 : memref<4096xf32, #tpu.memory_space<hbm>>) target(%dma_start3A_163 : memref<4096xf32, #tpu.memory_space<hbm>>) target_semaphore(%run_scoped3A : memref<!tpu.dma_semaphore, #tpu.memory_space<semaphore_mem>>)
        %dma_wait3A = arith.constant 77312 : i32
        %dma_wait3A_166 = tpu.memref_slice %arg10[%dma_wait3A] : memref<118272xf32, #tpu.memory_space<hbm>> -> memref<4096xf32, #tpu.memory_space<hbm>>
        %dma_wait3A_167 = arith.constant 8192 : i32
        %dma_wait3A_168 = tpu.memref_slice %arg7[%dma_wait3A_167] : memref<49152xf32, #tpu.memory_space<hbm>> -> memref<4096xf32, #tpu.memory_space<hbm>>
        tpu.wait_dma2 semaphore(%run_scoped3A : memref<!tpu.dma_semaphore, #tpu.memory_space<semaphore_mem>>) src(%dma_wait3A_168 : memref<4096xf32, #tpu.memory_space<hbm>>) dst(%dma_wait3A_166 : memref<4096xf32, #tpu.memory_space<hbm>>)
        tpu.yield
      }) : () -> ()
    } else {
    }
    %eq3A_113 = arith.constant 23 : i32
    %eq3A_114 = arith.cmpi eq, %add3A, %eq3A_113 : i32
    %convert_element_type3A_115 = arith.extui %eq3A_114 : i1 to i32
    %cond3A_116 = arith.constant 0 : i32
    %cond3A_117 = arith.cmpi ne, %convert_element_type3A_115, %cond3A_116 : i32
    scf.if %cond3A_117 {
      "tpu.region"() ({
        %run_scoped3A = tpu.sem_alloc : memref<!tpu.dma_semaphore, #tpu.memory_space<semaphore_mem>>
        %dma_start3A = arith.constant 81408 : i32
        %dma_start3A_163 = tpu.memref_slice %arg10[%dma_start3A] : memref<118272xf32, #tpu.memory_space<hbm>> -> memref<4096xf32, #tpu.memory_space<hbm>>
        %dma_start3A_164 = arith.constant 12288 : i32
        %dma_start3A_165 = tpu.memref_slice %arg7[%dma_start3A_164] : memref<49152xf32, #tpu.memory_space<hbm>> -> memref<4096xf32, #tpu.memory_space<hbm>>
        tpu.enqueue_dma source(%dma_start3A_165 : memref<4096xf32, #tpu.memory_space<hbm>>) target(%dma_start3A_163 : memref<4096xf32, #tpu.memory_space<hbm>>) target_semaphore(%run_scoped3A : memref<!tpu.dma_semaphore, #tpu.memory_space<semaphore_mem>>)
        %dma_wait3A = arith.constant 81408 : i32
        %dma_wait3A_166 = tpu.memref_slice %arg10[%dma_wait3A] : memref<118272xf32, #tpu.memory_space<hbm>> -> memref<4096xf32, #tpu.memory_space<hbm>>
        %dma_wait3A_167 = arith.constant 12288 : i32
        %dma_wait3A_168 = tpu.memref_slice %arg7[%dma_wait3A_167] : memref<49152xf32, #tpu.memory_space<hbm>> -> memref<4096xf32, #tpu.memory_space<hbm>>
        tpu.wait_dma2 semaphore(%run_scoped3A : memref<!tpu.dma_semaphore, #tpu.memory_space<semaphore_mem>>) src(%dma_wait3A_168 : memref<4096xf32, #tpu.memory_space<hbm>>) dst(%dma_wait3A_166 : memref<4096xf32, #tpu.memory_space<hbm>>)
        tpu.yield
      }) : () -> ()
    } else {
    }
    %eq3A_118 = arith.constant 24 : i32
    %eq3A_119 = arith.cmpi eq, %add3A, %eq3A_118 : i32
    %convert_element_type3A_120 = arith.extui %eq3A_119 : i1 to i32
    %cond3A_121 = arith.constant 0 : i32
    %cond3A_122 = arith.cmpi ne, %convert_element_type3A_120, %cond3A_121 : i32
    scf.if %cond3A_122 {
      "tpu.region"() ({
        %run_scoped3A = tpu.sem_alloc : memref<!tpu.dma_semaphore, #tpu.memory_space<semaphore_mem>>
        %dma_start3A = arith.constant 85504 : i32
        %dma_start3A_163 = tpu.memref_slice %arg10[%dma_start3A] : memref<118272xf32, #tpu.memory_space<hbm>> -> memref<4096xf32, #tpu.memory_space<hbm>>
        %dma_start3A_164 = arith.constant 16384 : i32
        %dma_start3A_165 = tpu.memref_slice %arg7[%dma_start3A_164] : memref<49152xf32, #tpu.memory_space<hbm>> -> memref<4096xf32, #tpu.memory_space<hbm>>
        tpu.enqueue_dma source(%dma_start3A_165 : memref<4096xf32, #tpu.memory_space<hbm>>) target(%dma_start3A_163 : memref<4096xf32, #tpu.memory_space<hbm>>) target_semaphore(%run_scoped3A : memref<!tpu.dma_semaphore, #tpu.memory_space<semaphore_mem>>)
        %dma_wait3A = arith.constant 85504 : i32
        %dma_wait3A_166 = tpu.memref_slice %arg10[%dma_wait3A] : memref<118272xf32, #tpu.memory_space<hbm>> -> memref<4096xf32, #tpu.memory_space<hbm>>
        %dma_wait3A_167 = arith.constant 16384 : i32
        %dma_wait3A_168 = tpu.memref_slice %arg7[%dma_wait3A_167] : memref<49152xf32, #tpu.memory_space<hbm>> -> memref<4096xf32, #tpu.memory_space<hbm>>
        tpu.wait_dma2 semaphore(%run_scoped3A : memref<!tpu.dma_semaphore, #tpu.memory_space<semaphore_mem>>) src(%dma_wait3A_168 : memref<4096xf32, #tpu.memory_space<hbm>>) dst(%dma_wait3A_166 : memref<4096xf32, #tpu.memory_space<hbm>>)
        tpu.yield
      }) : () -> ()
    } else {
    }
    %eq3A_123 = arith.constant 25 : i32
    %eq3A_124 = arith.cmpi eq, %add3A, %eq3A_123 : i32
    %convert_element_type3A_125 = arith.extui %eq3A_124 : i1 to i32
    %cond3A_126 = arith.constant 0 : i32
    %cond3A_127 = arith.cmpi ne, %convert_element_type3A_125, %cond3A_126 : i32
    scf.if %cond3A_127 {
      "tpu.region"() ({
        %run_scoped3A = tpu.sem_alloc : memref<!tpu.dma_semaphore, #tpu.memory_space<semaphore_mem>>
        %dma_start3A = arith.constant 89600 : i32
        %dma_start3A_163 = tpu.memref_slice %arg10[%dma_start3A] : memref<118272xf32, #tpu.memory_space<hbm>> -> memref<4096xf32, #tpu.memory_space<hbm>>
        %dma_start3A_164 = arith.constant 20480 : i32
        %dma_start3A_165 = tpu.memref_slice %arg7[%dma_start3A_164] : memref<49152xf32, #tpu.memory_space<hbm>> -> memref<4096xf32, #tpu.memory_space<hbm>>
        tpu.enqueue_dma source(%dma_start3A_165 : memref<4096xf32, #tpu.memory_space<hbm>>) target(%dma_start3A_163 : memref<4096xf32, #tpu.memory_space<hbm>>) target_semaphore(%run_scoped3A : memref<!tpu.dma_semaphore, #tpu.memory_space<semaphore_mem>>)
        %dma_wait3A = arith.constant 89600 : i32
        %dma_wait3A_166 = tpu.memref_slice %arg10[%dma_wait3A] : memref<118272xf32, #tpu.memory_space<hbm>> -> memref<4096xf32, #tpu.memory_space<hbm>>
        %dma_wait3A_167 = arith.constant 20480 : i32
        %dma_wait3A_168 = tpu.memref_slice %arg7[%dma_wait3A_167] : memref<49152xf32, #tpu.memory_space<hbm>> -> memref<4096xf32, #tpu.memory_space<hbm>>
        tpu.wait_dma2 semaphore(%run_scoped3A : memref<!tpu.dma_semaphore, #tpu.memory_space<semaphore_mem>>) src(%dma_wait3A_168 : memref<4096xf32, #tpu.memory_space<hbm>>) dst(%dma_wait3A_166 : memref<4096xf32, #tpu.memory_space<hbm>>)
        tpu.yield
      }) : () -> ()
    } else {
    }
    %eq3A_128 = arith.constant 26 : i32
    %eq3A_129 = arith.cmpi eq, %add3A, %eq3A_128 : i32
    %convert_element_type3A_130 = arith.extui %eq3A_129 : i1 to i32
    %cond3A_131 = arith.constant 0 : i32
    %cond3A_132 = arith.cmpi ne, %convert_element_type3A_130, %cond3A_131 : i32
    scf.if %cond3A_132 {
      "tpu.region"() ({
        %run_scoped3A = tpu.sem_alloc : memref<!tpu.dma_semaphore, #tpu.memory_space<semaphore_mem>>
        %dma_start3A = arith.constant 93696 : i32
        %dma_start3A_163 = tpu.memref_slice %arg10[%dma_start3A] : memref<118272xf32, #tpu.memory_space<hbm>> -> memref<4096xf32, #tpu.memory_space<hbm>>
        %dma_start3A_164 = arith.constant 24576 : i32
        %dma_start3A_165 = tpu.memref_slice %arg7[%dma_start3A_164] : memref<49152xf32, #tpu.memory_space<hbm>> -> memref<4096xf32, #tpu.memory_space<hbm>>
        tpu.enqueue_dma source(%dma_start3A_165 : memref<4096xf32, #tpu.memory_space<hbm>>) target(%dma_start3A_163 : memref<4096xf32, #tpu.memory_space<hbm>>) target_semaphore(%run_scoped3A : memref<!tpu.dma_semaphore, #tpu.memory_space<semaphore_mem>>)
        %dma_wait3A = arith.constant 93696 : i32
        %dma_wait3A_166 = tpu.memref_slice %arg10[%dma_wait3A] : memref<118272xf32, #tpu.memory_space<hbm>> -> memref<4096xf32, #tpu.memory_space<hbm>>
        %dma_wait3A_167 = arith.constant 24576 : i32
        %dma_wait3A_168 = tpu.memref_slice %arg7[%dma_wait3A_167] : memref<49152xf32, #tpu.memory_space<hbm>> -> memref<4096xf32, #tpu.memory_space<hbm>>
        tpu.wait_dma2 semaphore(%run_scoped3A : memref<!tpu.dma_semaphore, #tpu.memory_space<semaphore_mem>>) src(%dma_wait3A_168 : memref<4096xf32, #tpu.memory_space<hbm>>) dst(%dma_wait3A_166 : memref<4096xf32, #tpu.memory_space<hbm>>)
        tpu.yield
      }) : () -> ()
    } else {
    }
    %eq3A_133 = arith.constant 27 : i32
    %eq3A_134 = arith.cmpi eq, %add3A, %eq3A_133 : i32
    %convert_element_type3A_135 = arith.extui %eq3A_134 : i1 to i32
    %cond3A_136 = arith.constant 0 : i32
    %cond3A_137 = arith.cmpi ne, %convert_element_type3A_135, %cond3A_136 : i32
    scf.if %cond3A_137 {
      "tpu.region"() ({
        %run_scoped3A = tpu.sem_alloc : memref<!tpu.dma_semaphore, #tpu.memory_space<semaphore_mem>>
        %dma_start3A = arith.constant 97792 : i32
        %dma_start3A_163 = tpu.memref_slice %arg10[%dma_start3A] : memref<118272xf32, #tpu.memory_space<hbm>> -> memref<4096xf32, #tpu.memory_space<hbm>>
        %dma_start3A_164 = arith.constant 28672 : i32
        %dma_start3A_165 = tpu.memref_slice %arg7[%dma_start3A_164] : memref<49152xf32, #tpu.memory_space<hbm>> -> memref<4096xf32, #tpu.memory_space<hbm>>
        tpu.enqueue_dma source(%dma_start3A_165 : memref<4096xf32, #tpu.memory_space<hbm>>) target(%dma_start3A_163 : memref<4096xf32, #tpu.memory_space<hbm>>) target_semaphore(%run_scoped3A : memref<!tpu.dma_semaphore, #tpu.memory_space<semaphore_mem>>)
        %dma_wait3A = arith.constant 97792 : i32
        %dma_wait3A_166 = tpu.memref_slice %arg10[%dma_wait3A] : memref<118272xf32, #tpu.memory_space<hbm>> -> memref<4096xf32, #tpu.memory_space<hbm>>
        %dma_wait3A_167 = arith.constant 28672 : i32
        %dma_wait3A_168 = tpu.memref_slice %arg7[%dma_wait3A_167] : memref<49152xf32, #tpu.memory_space<hbm>> -> memref<4096xf32, #tpu.memory_space<hbm>>
        tpu.wait_dma2 semaphore(%run_scoped3A : memref<!tpu.dma_semaphore, #tpu.memory_space<semaphore_mem>>) src(%dma_wait3A_168 : memref<4096xf32, #tpu.memory_space<hbm>>) dst(%dma_wait3A_166 : memref<4096xf32, #tpu.memory_space<hbm>>)
        tpu.yield
      }) : () -> ()
    } else {
    }
    %eq3A_138 = arith.constant 28 : i32
    %eq3A_139 = arith.cmpi eq, %add3A, %eq3A_138 : i32
    %convert_element_type3A_140 = arith.extui %eq3A_139 : i1 to i32
    %cond3A_141 = arith.constant 0 : i32
    %cond3A_142 = arith.cmpi ne, %convert_element_type3A_140, %cond3A_141 : i32
    scf.if %cond3A_142 {
      "tpu.region"() ({
        %run_scoped3A = tpu.sem_alloc : memref<!tpu.dma_semaphore, #tpu.memory_space<semaphore_mem>>
        %dma_start3A = arith.constant 101888 : i32
        %dma_start3A_163 = tpu.memref_slice %arg10[%dma_start3A] : memref<118272xf32, #tpu.memory_space<hbm>> -> memref<4096xf32, #tpu.memory_space<hbm>>
        %dma_start3A_164 = arith.constant 32768 : i32
        %dma_start3A_165 = tpu.memref_slice %arg7[%dma_start3A_164] : memref<49152xf32, #tpu.memory_space<hbm>> -> memref<4096xf32, #tpu.memory_space<hbm>>
        tpu.enqueue_dma source(%dma_start3A_165 : memref<4096xf32, #tpu.memory_space<hbm>>) target(%dma_start3A_163 : memref<4096xf32, #tpu.memory_space<hbm>>) target_semaphore(%run_scoped3A : memref<!tpu.dma_semaphore, #tpu.memory_space<semaphore_mem>>)
        %dma_wait3A = arith.constant 101888 : i32
        %dma_wait3A_166 = tpu.memref_slice %arg10[%dma_wait3A] : memref<118272xf32, #tpu.memory_space<hbm>> -> memref<4096xf32, #tpu.memory_space<hbm>>
        %dma_wait3A_167 = arith.constant 32768 : i32
        %dma_wait3A_168 = tpu.memref_slice %arg7[%dma_wait3A_167] : memref<49152xf32, #tpu.memory_space<hbm>> -> memref<4096xf32, #tpu.memory_space<hbm>>
        tpu.wait_dma2 semaphore(%run_scoped3A : memref<!tpu.dma_semaphore, #tpu.memory_space<semaphore_mem>>) src(%dma_wait3A_168 : memref<4096xf32, #tpu.memory_space<hbm>>) dst(%dma_wait3A_166 : memref<4096xf32, #tpu.memory_space<hbm>>)
        tpu.yield
      }) : () -> ()
    } else {
    }
    %eq3A_143 = arith.constant 29 : i32
    %eq3A_144 = arith.cmpi eq, %add3A, %eq3A_143 : i32
    %convert_element_type3A_145 = arith.extui %eq3A_144 : i1 to i32
    %cond3A_146 = arith.constant 0 : i32
    %cond3A_147 = arith.cmpi ne, %convert_element_type3A_145, %cond3A_146 : i32
    scf.if %cond3A_147 {
      "tpu.region"() ({
        %run_scoped3A = tpu.sem_alloc : memref<!tpu.dma_semaphore, #tpu.memory_space<semaphore_mem>>
        %dma_start3A = arith.constant 105984 : i32
        %dma_start3A_163 = tpu.memref_slice %arg10[%dma_start3A] : memref<118272xf32, #tpu.memory_space<hbm>> -> memref<4096xf32, #tpu.memory_space<hbm>>
        %dma_start3A_164 = arith.constant 36864 : i32
        %dma_start3A_165 = tpu.memref_slice %arg7[%dma_start3A_164] : memref<49152xf32, #tpu.memory_space<hbm>> -> memref<4096xf32, #tpu.memory_space<hbm>>
        tpu.enqueue_dma source(%dma_start3A_165 : memref<4096xf32, #tpu.memory_space<hbm>>) target(%dma_start3A_163 : memref<4096xf32, #tpu.memory_space<hbm>>) target_semaphore(%run_scoped3A : memref<!tpu.dma_semaphore, #tpu.memory_space<semaphore_mem>>)
        %dma_wait3A = arith.constant 105984 : i32
        %dma_wait3A_166 = tpu.memref_slice %arg10[%dma_wait3A] : memref<118272xf32, #tpu.memory_space<hbm>> -> memref<4096xf32, #tpu.memory_space<hbm>>
        %dma_wait3A_167 = arith.constant 36864 : i32
        %dma_wait3A_168 = tpu.memref_slice %arg7[%dma_wait3A_167] : memref<49152xf32, #tpu.memory_space<hbm>> -> memref<4096xf32, #tpu.memory_space<hbm>>
        tpu.wait_dma2 semaphore(%run_scoped3A : memref<!tpu.dma_semaphore, #tpu.memory_space<semaphore_mem>>) src(%dma_wait3A_168 : memref<4096xf32, #tpu.memory_space<hbm>>) dst(%dma_wait3A_166 : memref<4096xf32, #tpu.memory_space<hbm>>)
        tpu.yield
      }) : () -> ()
    } else {
    }
    %eq3A_148 = arith.constant 30 : i32
    %eq3A_149 = arith.cmpi eq, %add3A, %eq3A_148 : i32
    %convert_element_type3A_150 = arith.extui %eq3A_149 : i1 to i32
    %cond3A_151 = arith.constant 0 : i32
    %cond3A_152 = arith.cmpi ne, %convert_element_type3A_150, %cond3A_151 : i32
    scf.if %cond3A_152 {
      "tpu.region"() ({
        %run_scoped3A = tpu.sem_alloc : memref<!tpu.dma_semaphore, #tpu.memory_space<semaphore_mem>>
        %dma_start3A = arith.constant 110080 : i32
        %dma_start3A_163 = tpu.memref_slice %arg10[%dma_start3A] : memref<118272xf32, #tpu.memory_space<hbm>> -> memref<4096xf32, #tpu.memory_space<hbm>>
        %dma_start3A_164 = arith.constant 40960 : i32
        %dma_start3A_165 = tpu.memref_slice %arg7[%dma_start3A_164] : memref<49152xf32, #tpu.memory_space<hbm>> -> memref<4096xf32, #tpu.memory_space<hbm>>
        tpu.enqueue_dma source(%dma_start3A_165 : memref<4096xf32, #tpu.memory_space<hbm>>) target(%dma_start3A_163 : memref<4096xf32, #tpu.memory_space<hbm>>) target_semaphore(%run_scoped3A : memref<!tpu.dma_semaphore, #tpu.memory_space<semaphore_mem>>)
        %dma_wait3A = arith.constant 110080 : i32
        %dma_wait3A_166 = tpu.memref_slice %arg10[%dma_wait3A] : memref<118272xf32, #tpu.memory_space<hbm>> -> memref<4096xf32, #tpu.memory_space<hbm>>
        %dma_wait3A_167 = arith.constant 40960 : i32
        %dma_wait3A_168 = tpu.memref_slice %arg7[%dma_wait3A_167] : memref<49152xf32, #tpu.memory_space<hbm>> -> memref<4096xf32, #tpu.memory_space<hbm>>
        tpu.wait_dma2 semaphore(%run_scoped3A : memref<!tpu.dma_semaphore, #tpu.memory_space<semaphore_mem>>) src(%dma_wait3A_168 : memref<4096xf32, #tpu.memory_space<hbm>>) dst(%dma_wait3A_166 : memref<4096xf32, #tpu.memory_space<hbm>>)
        tpu.yield
      }) : () -> ()
    } else {
    }
    %eq3A_153 = arith.constant 0 : i32
    %eq3A_154 = arith.cmpi eq, %add3A, %eq3A_153 : i32
    %convert_element_type3A_155 = arith.extui %eq3A_154 : i1 to i32
    %cond3A_156 = arith.constant 0 : i32
    %cond3A_157 = arith.cmpi ne, %convert_element_type3A_155, %cond3A_156 : i32
    scf.if %cond3A_157 {
      "tpu.region"() ({
        %run_scoped3A = tpu.sem_alloc : memref<!tpu.dma_semaphore, #tpu.memory_space<semaphore_mem>>
        %dma_start3A = arith.constant 114176 : i32
        %dma_start3A_163 = tpu.memref_slice %arg10[%dma_start3A] : memref<118272xf32, #tpu.memory_space<hbm>> -> memref<4096xf32, #tpu.memory_space<hbm>>
        %dma_start3A_164 = arith.constant 45056 : i32
        %dma_start3A_165 = tpu.memref_slice %arg7[%dma_start3A_164] : memref<49152xf32, #tpu.memory_space<hbm>> -> memref<4096xf32, #tpu.memory_space<hbm>>
        tpu.enqueue_dma source(%dma_start3A_165 : memref<4096xf32, #tpu.memory_space<hbm>>) target(%dma_start3A_163 : memref<4096xf32, #tpu.memory_space<hbm>>) target_semaphore(%run_scoped3A : memref<!tpu.dma_semaphore, #tpu.memory_space<semaphore_mem>>)
        %dma_wait3A = arith.constant 114176 : i32
        %dma_wait3A_166 = tpu.memref_slice %arg10[%dma_wait3A] : memref<118272xf32, #tpu.memory_space<hbm>> -> memref<4096xf32, #tpu.memory_space<hbm>>
        %dma_wait3A_167 = arith.constant 45056 : i32
        %dma_wait3A_168 = tpu.memref_slice %arg7[%dma_wait3A_167] : memref<49152xf32, #tpu.memory_space<hbm>> -> memref<4096xf32, #tpu.memory_space<hbm>>
        tpu.wait_dma2 semaphore(%run_scoped3A : memref<!tpu.dma_semaphore, #tpu.memory_space<semaphore_mem>>) src(%dma_wait3A_168 : memref<4096xf32, #tpu.memory_space<hbm>>) dst(%dma_wait3A_166 : memref<4096xf32, #tpu.memory_space<hbm>>)
        tpu.yield
      }) : () -> ()
    } else {
    }
    %eq3A_158 = arith.constant 31 : i32
    %eq3A_159 = arith.cmpi eq, %add3A, %eq3A_158 : i32
    %convert_element_type3A_160 = arith.extui %eq3A_159 : i1 to i32
    %cond3A_161 = arith.constant 0 : i32
    %cond3A_162 = arith.cmpi ne, %convert_element_type3A_160, %cond3A_161 : i32
    scf.if %cond3A_162 {
      "tpu.region"() ({
        %run_scoped3A = tpu.sem_alloc : memref<!tpu.dma_semaphore, #tpu.memory_space<semaphore_mem>>
        tpu.enqueue_dma source(%arg8 : memref<77xi32, #tpu.memory_space<hbm>>) target(%arg12 : memref<77xi32, #tpu.memory_space<vmem>>) target_semaphore(%run_scoped3A : memref<!tpu.dma_semaphore, #tpu.memory_space<semaphore_mem>>)
        tpu.wait_dma2 semaphore(%run_scoped3A : memref<!tpu.dma_semaphore, #tpu.memory_space<semaphore_mem>>) src(%arg8 : memref<77xi32, #tpu.memory_space<hbm>>) dst(%arg12 : memref<77xi32, #tpu.memory_space<vmem>>)
        tpu.yield
      }) : () -> ()
      "tpu.region"() ({
        %run_scoped3A = tpu.sem_alloc : memref<!tpu.dma_semaphore, #tpu.memory_space<semaphore_mem>>
        tpu.enqueue_dma source(%arg9 : memref<77xi32, #tpu.memory_space<hbm>>) target(%arg13 : memref<77xi32, #tpu.memory_space<vmem>>) target_semaphore(%run_scoped3A : memref<!tpu.dma_semaphore, #tpu.memory_space<semaphore_mem>>)
        tpu.wait_dma2 semaphore(%run_scoped3A : memref<!tpu.dma_semaphore, #tpu.memory_space<semaphore_mem>>) src(%arg9 : memref<77xi32, #tpu.memory_space<hbm>>) dst(%arg13 : memref<77xi32, #tpu.memory_space<vmem>>)
        tpu.yield
      }) : () -> ()
      %get3A = arith.constant 0 : index
      %get3A_163 = tpu.vector_load %arg12[%get3A] {strides = array<i32>} : memref<77xi32, #tpu.memory_space<vmem>>, vector<16xi32>,
      %get3A_164 = vector.shape_cast %get3A_163 : vector<16xi32> to vector<16xi32>
      %swap3A = arith.constant 0 : index
      %swap3A_165 = tpu.vector_load %arg14[%swap3A] {strides = array<i32>} : memref<154xi32, #tpu.memory_space<vmem>>, vector<16xi32>,
      %swap3A_166 = vector.shape_cast %swap3A_165 : vector<16xi32> to vector<16xi32>
      %swap3A_167 = vector.shape_cast %get3A_164 : vector<16xi32> to vector<16xi32>
      tpu.vector_store %arg14[%swap3A], %swap3A_167 {strides = array<i32>} : memref<154xi32, #tpu.memory_space<vmem>>, vector<16xi32>,
      %get3A_168 = arith.constant 0 : index
      %get3A_169 = tpu.vector_load %arg13[%get3A_168] {strides = array<i32>} : memref<77xi32, #tpu.memory_space<vmem>>, vector<16xi32>,
      %get3A_170 = vector.shape_cast %get3A_169 : vector<16xi32> to vector<16xi32>
      %swap3A_171 = arith.constant 77 : index
      %swap3A_172 = tpu.vector_load %arg14[%swap3A_171] {strides = array<i32>} : memref<154xi32, #tpu.memory_space<vmem>>, vector<16xi32>,
      %swap3A_173 = vector.shape_cast %swap3A_172 : vector<16xi32> to vector<16xi32>
      %swap3A_174 = vector.shape_cast %get3A_170 : vector<16xi32> to vector<16xi32>
      tpu.vector_store %arg14[%swap3A_171], %swap3A_174 {strides = array<i32>} : memref<154xi32, #tpu.memory_space<vmem>>, vector<16xi32>,
      %get3A_175 = arith.constant 16 : index
      %get3A_176 = tpu.vector_load %arg12[%get3A_175] {strides = array<i32>} : memref<77xi32, #tpu.memory_space<vmem>>, vector<16xi32>,
      %get3A_177 = vector.shape_cast %get3A_176 : vector<16xi32> to vector<16xi32>
      %swap3A_178 = arith.constant 16 : index
      %swap3A_179 = tpu.vector_load %arg14[%swap3A_178] {strides = array<i32>} : memref<154xi32, #tpu.memory_space<vmem>>, vector<16xi32>,
      %swap3A_180 = vector.shape_cast %swap3A_179 : vector<16xi32> to vector<16xi32>
      %swap3A_181 = vector.shape_cast %get3A_177 : vector<16xi32> to vector<16xi32>
      tpu.vector_store %arg14[%swap3A_178], %swap3A_181 {strides = array<i32>} : memref<154xi32, #tpu.memory_space<vmem>>, vector<16xi32>,
      %get3A_182 = arith.constant 16 : index
      %get3A_183 = tpu.vector_load %arg13[%get3A_182] {strides = array<i32>} : memref<77xi32, #tpu.memory_space<vmem>>, vector<16xi32>,
      %get3A_184 = vector.shape_cast %get3A_183 : vector<16xi32> to vector<16xi32>
      %swap3A_185 = arith.constant 93 : index
      %swap3A_186 = tpu.vector_load %arg14[%swap3A_185] {strides = array<i32>} : memref<154xi32, #tpu.memory_space<vmem>>, vector<16xi32>,
      %swap3A_187 = vector.shape_cast %swap3A_186 : vector<16xi32> to vector<16xi32>
      %swap3A_188 = vector.shape_cast %get3A_184 : vector<16xi32> to vector<16xi32>
      tpu.vector_store %arg14[%swap3A_185], %swap3A_188 {strides = array<i32>} : memref<154xi32, #tpu.memory_space<vmem>>, vector<16xi32>,
      %get3A_189 = arith.constant 32 : index
      %get3A_190 = tpu.vector_load %arg12[%get3A_189] {strides = array<i32>} : memref<77xi32, #tpu.memory_space<vmem>>, vector<16xi32>,
      %get3A_191 = vector.shape_cast %get3A_190 : vector<16xi32> to vector<16xi32>
      %swap3A_192 = arith.constant 32 : index
      %swap3A_193 = tpu.vector_load %arg14[%swap3A_192] {strides = array<i32>} : memref<154xi32, #tpu.memory_space<vmem>>, vector<16xi32>,
      %swap3A_194 = vector.shape_cast %swap3A_193 : vector<16xi32> to vector<16xi32>
      %swap3A_195 = vector.shape_cast %get3A_191 : vector<16xi32> to vector<16xi32>
      tpu.vector_store %arg14[%swap3A_192], %swap3A_195 {strides = array<i32>} : memref<154xi32, #tpu.memory_space<vmem>>, vector<16xi32>,
      %get3A_196 = arith.constant 32 : index
      %get3A_197 = tpu.vector_load %arg13[%get3A_196] {strides = array<i32>} : memref<77xi32, #tpu.memory_space<vmem>>, vector<16xi32>,
      %get3A_198 = vector.shape_cast %get3A_197 : vector<16xi32> to vector<16xi32>
      %swap3A_199 = arith.constant 109 : index
      %swap3A_200 = tpu.vector_load %arg14[%swap3A_199] {strides = array<i32>} : memref<154xi32, #tpu.memory_space<vmem>>, vector<16xi32>,
      %swap3A_201 = vector.shape_cast %swap3A_200 : vector<16xi32> to vector<16xi32>
      %swap3A_202 = vector.shape_cast %get3A_198 : vector<16xi32> to vector<16xi32>
      tpu.vector_store %arg14[%swap3A_199], %swap3A_202 {strides = array<i32>} : memref<154xi32, #tpu.memory_space<vmem>>, vector<16xi32>,
      %get3A_203 = arith.constant 48 : index
      %get3A_204 = tpu.vector_load %arg12[%get3A_203] {strides = array<i32>} : memref<77xi32, #tpu.memory_space<vmem>>, vector<16xi32>,
      %get3A_205 = vector.shape_cast %get3A_204 : vector<16xi32> to vector<16xi32>
      %swap3A_206 = arith.constant 48 : index
      %swap3A_207 = tpu.vector_load %arg14[%swap3A_206] {strides = array<i32>} : memref<154xi32, #tpu.memory_space<vmem>>, vector<16xi32>,
      %swap3A_208 = vector.shape_cast %swap3A_207 : vector<16xi32> to vector<16xi32>
      %swap3A_209 = vector.shape_cast %get3A_205 : vector<16xi32> to vector<16xi32>
      tpu.vector_store %arg14[%swap3A_206], %swap3A_209 {strides = array<i32>} : memref<154xi32, #tpu.memory_space<vmem>>, vector<16xi32>,
      %get3A_210 = arith.constant 48 : index
      %get3A_211 = tpu.vector_load %arg13[%get3A_210] {strides = array<i32>} : memref<77xi32, #tpu.memory_space<vmem>>, vector<16xi32>,
      %get3A_212 = vector.shape_cast %get3A_211 : vector<16xi32> to vector<16xi32>
      %swap3A_213 = arith.constant 125 : index
      %swap3A_214 = tpu.vector_load %arg14[%swap3A_213] {strides = array<i32>} : memref<154xi32, #tpu.memory_space<vmem>>, vector<16xi32>,
      %swap3A_215 = vector.shape_cast %swap3A_214 : vector<16xi32> to vector<16xi32>
      %swap3A_216 = vector.shape_cast %get3A_212 : vector<16xi32> to vector<16xi32>
      tpu.vector_store %arg14[%swap3A_213], %swap3A_216 {strides = array<i32>} : memref<154xi32, #tpu.memory_space<vmem>>, vector<16xi32>,
      %get3A_217 = arith.constant 61 : index
      %get3A_218 = tpu.vector_load %arg12[%get3A_217] {strides = array<i32>} : memref<77xi32, #tpu.memory_space<vmem>>, vector<16xi32>,
      %get3A_219 = vector.shape_cast %get3A_218 : vector<16xi32> to vector<16xi32>
      %swap3A_220 = arith.constant 61 : index
      %swap3A_221 = tpu.vector_load %arg14[%swap3A_220] {strides = array<i32>} : memref<154xi32, #tpu.memory_space<vmem>>, vector<16xi32>,
      %swap3A_222 = vector.shape_cast %swap3A_221 : vector<16xi32> to vector<16xi32>
      %swap3A_223 = vector.shape_cast %get3A_219 : vector<16xi32> to vector<16xi32>
      tpu.vector_store %arg14[%swap3A_220], %swap3A_223 {strides = array<i32>} : memref<154xi32, #tpu.memory_space<vmem>>, vector<16xi32>,
      %get3A_224 = arith.constant 61 : index
      %get3A_225 = tpu.vector_load %arg13[%get3A_224] {strides = array<i32>} : memref<77xi32, #tpu.memory_space<vmem>>, vector<16xi32>,
      %get3A_226 = vector.shape_cast %get3A_225 : vector<16xi32> to vector<16xi32>
      %swap3A_227 = arith.constant 138 : index
      %swap3A_228 = tpu.vector_load %arg14[%swap3A_227] {strides = array<i32>} : memref<154xi32, #tpu.memory_space<vmem>>, vector<16xi32>,
      %swap3A_229 = vector.shape_cast %swap3A_228 : vector<16xi32> to vector<16xi32>
      %swap3A_230 = vector.shape_cast %get3A_226 : vector<16xi32> to vector<16xi32>
      tpu.vector_store %arg14[%swap3A_227], %swap3A_230 {strides = array<i32>} : memref<154xi32, #tpu.memory_space<vmem>>, vector<16xi32>,
      "tpu.region"() ({
        %run_scoped3A = tpu.sem_alloc : memref<!tpu.dma_semaphore, #tpu.memory_space<semaphore_mem>>
        tpu.enqueue_dma source(%arg14 : memref<154xi32, #tpu.memory_space<vmem>>) target(%arg11 : memref<154xi32, #tpu.memory_space<hbm>>) target_semaphore(%run_scoped3A : memref<!tpu.dma_semaphore, #tpu.memory_space<semaphore_mem>>)
        tpu.wait_dma2 semaphore(%run_scoped3A : memref<!tpu.dma_semaphore, #tpu.memory_space<semaphore_mem>>) src(%arg14 : memref<154xi32, #tpu.memory_space<vmem>>) dst(%arg11 : memref<154xi32, #tpu.memory_space<hbm>>)
        tpu.yield
      }) : () -> ()
    } else {
    }
    return
  }
}

</mosaic_0001>

<sc_bundles>
// kernel: kernel.3.cloned.1.call-start
scs
__scs_entry_jumppad:
0x0: {  	(pc) =	sbr.rel $0x88, $3  }
0x1: {  	(tag) =	ssettag $0x0;
	lr =	simm.s32 $0x1  }
0x2: {  	[smem:$0x3F98] =	sst lr;
	_ =	strace $0xD0000000  }
0x3: {  	_ = 	snop  }
0x4: {  	_ = 	snop  }
0x5: {  	_ = 	snop  }
0x6: {  	_ = 	snop  }
0x7: {  	_ = 	snop  }
__scs_overlays_trampoline_lowered:
0x8: {  	[smem:$0x3FA7] =	sst s0  }
0x9: {  	[smem:$0x3FA8] =	sst s1  }
0xa: {  	[smem:$0x3FA9] =	sst s2  }
0xb: {  	[smem:$0x3FAA] =	sst s3  }
0xc: {  	[smem:$0x3FAB] =	sst s4  }
0xd: {  	[smem:$0x3FAC] =	sst s5  }
0xe: {  	[smem:$0x3FAD] =	sst s6  }
0xf: {  	[smem:$0x3FAE] =	sst s7  }
0x10: {  	[smem:$0x3FAF] =	sst s8  }
0x11: {  	[smem:$0x3FB0] =	sst s9;
	s0 =	simm.s32 @!p0 $0x0  }
0x12: {  	s1 =	sld [smem:$0x3F96];
	s0 =	simm.s32 @p0 $0x1  }
0x13: {  	[smem:$0x3FB1] =	sst s0;
	s0 =	simm.s32 @!p1 $0x0  }
0x14: {  	s2 =	sld [smem:$0x3F95];
	s0 =	simm.s32 @p1 $0x1  }
0x15: {  	[smem:$0x3FB2] =	sst s0;
	s0 =	simm.s32 @!p2 $0x0  }
0x16: {  	s3 =	sld [smem:$0x3FDB];
	s0 =	simm.s32 @p2 $0x1  }
0x17: {  	s4 =	simm.s32 $0x1BF5;
	[smem:$0x3FB4] =	sst s0  }
0x18: {  	s0 =	sld [smem:$0x3F97];
	_ =	swait.ge [sflag:s4], $0x0  }
0x19: {  	s7 =	sld [smem:$0x3F98]  }
0x1a: {  	s8 =	sadd.s32 $0xFFFFE003, lr  }
0x1b: {  	s9 =	sadd.s32 $0xFFFFFEF7, lr;
	s5 =	simm.s32 $0xFFFFFFFF;
	p2 =	slt.u32 s8, $0xFFFFF086  }
0x1c: {  	p1 =	slt.u32 s9, $0xF7A;
	s5 =	simm.s32 @!p2 $0x0  }
0x1d: {  	s5 =	simm.s32 @p1 $0x1;
	p0 =	seq.s32 s7, s2  }
0x1e: {  	s7 =	smul.u32 @!p0 $0xF7A, s2;
	p2 =	seq.s32 @!p0 s5, $0x0  }
0x1f: {  	s9 =	smul.u32 $0xF7A, s1;
	s8 =	simm.s32 @!p0 $0x1BF5;
	p2 =	por !p2, p0  }
0x20: {  	[sflag:s8] =	ssyncset.s32 @!p0 $0xFFFFF086;
	s6 =	sadd.s32 @!p0 s3, s7;
	s7 =	simm.s32 @!p0 $0x108  }
0x21: {  	s3 =	sadd.s32 s3, s9;
	s6 =	sadd.s32 @!p0 $0x88, s6;
	s7 =	simm.s32 @p2 $0x1082  }
0x22: {  	[simem:s7], [sflag:s8] =	dma.local @!p0 [hbm:s6], $0xF7A  }
0x23: {  	s9 =	sor.u32 $0xD0000000, s2;
	s6 =	simm.s32 $0x108;
	_ =	swait.ge @!p0 [sflag:s8], $0x0  }
0x24: {  	s3 =	sadd.s32 $0x88, s3;
	s6 =	simm.s32 @!p1 $0x1082;
	[sflag:s4] =	ssyncset.s32 $0xFFFFF086  }
0x25: {  	[simem:s6], [sflag:s4] =	dma.local [hbm:s3], $0xF7A  }
0x26: {  	[smem:$0x3F98] =	sst s1;
	(tag) =	ssettag s2;
	_ =	strace s9  }
0x27: {  	s1 =	sld [smem:$0x3FA8]  }
0x28: {  	s2 =	sld [smem:$0x3FA9]  }
0x29: {  	s4 =	sld [smem:$0x3FAB]  }
0x2a: {  	p0 =	seq.s32 s5, $0x0;
	s5 =	sld [smem:$0x3FAC]  }
0x2b: {  	s6 =	sld [smem:$0x3FAD]  }
0x2c: {  	s7 =	sld [smem:$0x3FAE]  }
0x2d: {  	s3 =	simm.s32 $0x108;
	s8 =	sld [smem:$0x3FAF]  }
0x2e: {  	s3 =	simm.s32 @!p0 $0x1082;
	s9 =	sld [smem:$0x3FB0]  }
0x2f: {  	lr =	sadd.s32 s0, s3;
	s0 =	sld [smem:$0x3FA7]  }
0x30: {  	s3 =	sld [smem:$0x3FAA]  }
0x31: {  	[smem:$0x3FB3] =	sst s10  }
0x32: {  	s10 =	sld [smem:$0x3FB1];
	_ =	sdelay $0x3  }
0x33: {  	p0 =	seq.s32 s10, $0x1;
	s10 =	sld [smem:$0x3FB3];
	_ =	sdelay $0x3  }
0x34: {  	[smem:$0x3FB3] =	sst s10  }
0x35: {  	s10 =	sld [smem:$0x3FB2];
	_ =	sdelay $0x3  }
0x36: {  	p1 =	seq.s32 s10, $0x1;
	s10 =	sld [smem:$0x3FB3];
	_ =	sdelay $0x3  }
0x37: {  	[smem:$0x3FB3] =	sst s10  }
0x38: {  	s10 =	sld [smem:$0x3FB4]  }
0x39: {  	_ = 	snop;
	(pc) =	sbr.ind lr, $3  }
0x3a: {  	_ = 	snop  }
0x3b: {  	_ = 	snop  }
0x3c: {  	p2 =	seq.s32 s10, $0x1;
	s10 =	sld [smem:$0x3FB3]  }
0x3d: {  	_ =	shalt  }
0x3e: {  	_ =	shalt  }
0x3f: {  	_ =	shalt  }
0x40: {  	_ =	shalt  }
0x41: {  	_ =	shalt  }
0x42: {  	_ =	shalt  }
0x43: {  	_ =	shalt  }
0x44: {  	_ =	shalt  }
0x45: {  	_ =	shalt  }
0x46: {  	_ =	shalt  }
0x47: {  	_ =	shalt  }
0x48: {  	_ =	shalt  }
0x49: {  	_ =	shalt  }
0x4a: {  	_ =	shalt  }
0x4b: {  	_ =	shalt  }
0x4c: {  	_ =	shalt  }
0x4d: {  	_ =	shalt  }
0x4e: {  	_ =	shalt  }
0x4f: {  	_ =	shalt  }
0x50: {  	_ =	shalt  }
0x51: {  	_ =	shalt  }
0x52: {  	_ =	shalt  }
0x53: {  	_ =	shalt  }
0x54: {  	_ =	shalt  }
0x55: {  	_ =	shalt  }
0x56: {  	_ =	shalt  }
0x57: {  	_ =	shalt  }
0x58: {  	_ =	shalt  }
0x59: {  	_ =	shalt  }
0x5a: {  	_ =	shalt  }
0x5b: {  	_ =	shalt  }
0x5c: {  	_ =	shalt  }
0x5d: {  	_ =	shalt  }
0x5e: {  	_ =	shalt  }
0x5f: {  	_ =	shalt  }
0x60: {  	_ =	shalt  }
0x61: {  	_ =	shalt  }
0x62: {  	_ =	shalt  }
0x63: {  	_ =	shalt  }
0x64: {  	_ =	shalt  }
0x65: {  	_ =	shalt  }
0x66: {  	_ =	shalt  }
0x67: {  	_ =	shalt  }
0x68: {  	_ =	shalt  }
0x69: {  	_ =	shalt  }
0x6a: {  	_ =	shalt  }
0x6b: {  	_ =	shalt  }
0x6c: {  	_ =	shalt  }
0x6d: {  	_ =	shalt  }
0x6e: {  	_ =	shalt  }
0x6f: {  	_ =	shalt  }
0x70: {  	_ =	shalt  }
0x71: {  	_ =	shalt  }
0x72: {  	_ =	shalt  }
0x73: {  	_ =	shalt  }
0x74: {  	_ =	shalt  }
0x75: {  	_ =	shalt  }
0x76: {  	_ =	shalt  }
0x77: {  	_ =	shalt  }
0x78: {  	_ =	shalt  }
0x79: {  	_ =	shalt  }
0x7a: {  	_ =	shalt  }
0x7b: {  	_ =	shalt  }
0x7c: {  	_ =	shalt  }
0x7d: {  	_ =	shalt  }
0x7e: {  	_ =	shalt  }
0x7f: {  	_ =	shalt  }
0x80: {  	_ =	shalt  }
0x81: {  	_ =	shalt  }
0x82: {  	_ =	shalt  }
0x83: {  	_ =	shalt  }
0x84: {  	_ =	shalt  }
0x85: {  	_ =	shalt  }
0x86: {  	_ =	shalt  }
0x87: {  	_ =	shalt  }
.Lfunc_end0:
.L_simem_size_0:
called_computation_lowered:
.L_overlay_start_0:
0x88: {  	s2 =	sld [smem:$0x3FD9]  }
0x89: {  	s3 =	sld [smem:$0x3FFE];
	_ =	sdelay $0x1  }
0x8a: {  	s1 =	srdreg.scid  }
0x8b: {  	s0 =	sand.u32 $0x1, s1  }
0x8c: {  	s14 =	sshll.u32 s0, $0xA;
	s2 =	sadd.s32 s3, s2  }
0x8d: {  	s2 =	sadd.s32 s2, s14  }
0x8e: {  	[smem:$0x3FBF] =	sst s2  }
0x8f: {  	_ = 	snop  }
0x90: {  	s2 =	sld [smem:$0x3FC9]  }
0x91: {  	s15 =	sld [smem:$0x3FD0]  }
0x92: {  	s4 =	sld [smem:$0x3FC8]  }
0x93: {  	s5 =	sld [smem:$0x3FC3]  }
0x94: {  	s7 =	simm.s32 $0xA;
	s8 =	simm.s32 $0x10;
	s6 =	sld [smem:$0x3FC2]  }
0x95: {  	[smem:s8], [sflag:s7] =	dma.local [hbm:s15], $0x1  }
0x96: {  	_ =	swait.eq [sflag:s7], $0x1  }
0x97: {  	s16 =	sld [smem:$0x10];
	[sflag:s7] =	ssyncset.done $0x0  }
0x98: {  	s17 =	sld [smem:$0x11];
	[sflag:s7] =	ssyncadd.s32 $0xFFFFFFFF  }
0x99: {  	s18 =	sld [smem:$0x12];
	(tm) =	ssettm $0x1  }
0x9a: {  	s9 =	sld [smem:$0x3FFB];
	_ =	sdelay $0x3  }
0x9b: {  	_ =	strace s9  }
0x9c: {  	s9 =	sld [smem:$0x3FFC];
	_ =	sdelay $0x3  }
0x9d: {  	_ =	strace s9  }
0x9e: {  	s9 =	sld [smem:$0x3FFD];
	_ =	sdelay $0x3  }
0x9f: {  	_ =	strace s9  }
0xa0: {  	_ =	strace $0x8FFFFFFF  }
0xa1: {  	s19 =	sld [smem:$0x3FDB];
	_ =	sdelay $0x1  }
0xa2: {  	s10 =	simm.s32 $_scs_section_size  }
0xa3: {  	s11 =	simm.s32 $_size__tile_overlayer_lowered;
	s12 =	simm.s32 $_tile_overlayer_lowered  }
0xa4: {  	s22 =	simm.s32 $0x1BFF;
	s21 =	sshll.u32 s12, $0x1;
	s9 =	sadd.s32 s10, s19  }
0xa5: {  	s13 =	simm.s32 $0x0;
	s20 =	sshll.u32 s11, $0x1;
	s11 =	sadd.s32 s21, s9  }
0xa6: {  	[timem:s13], [sflag:s22] =	dma.local [hbm:s11], s20  }
0xa7: {  	_ =	swait.ge [sflag:s22], s20  }
0xa8: {  	s10 =	ssub.s32 $0x0, s20;
	[sflag:s22] =	ssyncset.done $0x0  }
0xa9: {  	[sflag:s22] =	ssyncadd.s32 s10;
	_ =	sdelay $0x1  }
0xaa: {  	s23 =	simm.s32 $0x1B8B  }
0xab: {  	_ =	swait.ge [sflag:s23], $0x1  }
0xac: {  	[sflag:s23] =	ssyncset.done $0x0  }
0xad: {  	s25 =	simm.s32 $0x1B8E;
	s24 =	sld [smem:$0x3FFE];
	[sflag:s23] =	ssyncadd.s32 $0xFFFFFFFF  }
0xae: {  	s26 =	simm.s32 $execute0_lowered;
	[smem:$0x3FD2] =	sst s25  }
0xaf: {  	s11 =	sshll.u32 s26, $0x1;
	_ =	strace $0x80000046;
	[dreg:$0x1] =	wrdreg $0xFFFFFFFF  }
0xb0: {  	s28 =	simm.s32 $_size_execute0_lowered;
	s9 =	sadd.s32 s9, s11;
	[dreg:$0x0] =	wrdreg $0x0  }
0xb1: {  	s11 =	sshll.u32 s28, $0x1;
	[dreg:$0x2] =	wrdreg s9  }
0xb2: {  	[dreg:$0x3] =	wrdreg s11  }
0xb3: {  	[dreg:$0x4] =	wrdreg $0xC0  }
0xb4: {  	_ =	task [dreg:s13], $0x5FFFF  }
0xb5: {  	[dreg:$0x1] =	wrdreg $0xFFFFFFFF  }
0xb6: {  	[dreg:$0x0] =	wrdreg $0x60  }
0xb7: {  	[dreg:$0x2] =	wrdreg s18  }
0xb8: {  	[dreg:$0x3] =	wrdreg s2  }
0xb9: {  	[dreg:$0x4] =	wrdreg s16  }
0xba: {  	[dreg:$0x5] =	wrdreg s24  }
0xbb: {  	[dreg:$0x6] =	wrdreg s4  }
0xbc: {  	[dreg:$0x7] =	wrdreg s5  }
0xbd: {  	[dreg:$0x8] =	wrdreg s6  }
0xbe: {  	[dreg:$0x9] =	wrdreg s17  }
0xbf: {  	[dreg:$0xa] =	wrdreg $0x9  }
0xc0: {  	_ =	task.clear_ibuf [dreg:s13], $0xBFFFF;
	_ =	strace $0x90000046  }
0xc1: {  	s29 =	simm.s32 $0x9;
	_ =	strace $0x80000048  }
0xc2: {  	_ =	swait.ge [sflag:s29], $0x1  }
0xc3: {  	[sflag:s29] =	ssyncadd.s32 $0xFFFFFFFF  }
0xc4: {  	_ =	strace $0x90000048  }
0xc5: {  	_ =	sfence  }
0xc6: {  	s30 =	sld [smem:$0x0];
	_ =	sdelay $0x2  }
0xc7: {  	s31 =	sshll.u32 s1, $0xD;
	s1 =	sshrl.u32 s1, $0x2  }
0xc8: {  	s3 =	sand.u32 $0x4000, s31;
	s1 =	sadd.s32 s1, s30  }
0xc9: {  	s0 =	sor.u32 s3, s0;
	s1 =	sshll.u32 s1, $0x11  }
0xca: {  	s0 =	sor.u32 s1, s0  }
0xcb: {  	s0 =	sadd.s32 $0x8F2B, s0  }
0xcc: {  	[sflag:s0] =	ssyncadd.remote.s32 $0x1  }
0xcd: {  	_ =	sfence.sel $0xFFFF  }
0xce: {  	[dreg:$0x0] =	wrdreg $0xFFFFFFFF;
	(pc) =	sbr.abs _section_cstart, $3  }
0xcf: {  	[dreg:$0x1] =	wrdreg $0xFFFFFFFF  }
0xd0: {  	_ =	task.clear_ibuf [dreg:s13], $0x2FFFF;
	_ =	strace $0x9FFFFFFF  }
0xd1: {  	(tm) =	ssettm $0x7FFFFFFF  }
tec
execute0_lowered:
.L_overlay_start_1:
0x0: {  	(tag) =	ssettag $0x1  }
0x1: {  	s1 =	srdreg.scid;
	s0 =	stileid.u32  }
0x2: {  	s1 =	sand.u32 $0x1, s1;
	s2 =	sshll.u32 s0, $0x1  }
0x3: {  	s3 =	sor.u32 s1, s2  }
0x4: {  	p0 =	sgt.s32 s3, $0x1  }
0x5: {  	p1 =	seq.s32 @p0 s3, $0x2  }
0x6: {  	p2 =	por !p1, !p0  }
0x7: {  	s2 =	simm.s32 @!p2 $0x0  }
0x8: {  	p1 =	por p1, !p0;
	s2 =	simm.s32 @p2 $0x1  }
0x9: {  	p2 =	seq.s32 @!p0 s3, $0x0;
	[smem:$0x7DB] =	sst s2;
	s2 =	simm.s32 @!p1 $0x0  }
0xa: {  	s2 =	simm.s32 @p1 $0x1;
	p1 =	por !p2, p0  }
0xb: {  	[smem:$0x7DC] =	sst s2;
	s2 =	simm.s32 @!p1 $0x0  }
0xc: {  	p3 =	sgt.s32 s3, $0x5;
	p0 =	por p2, p0;
	s2 =	simm.s32 @p1 $0x1  }
0xd: {  	p1 =	seq.s32 @p3 s3, $0x6;
	[smem:$0x7DD] =	sst s2;
	s2 =	simm.s32 @!p0 $0x0  }
0xe: {  	s2 =	simm.s32 @p0 $0x1;
	p0 =	por !p1, !p3  }
0xf: {  	[smem:$0x7DE] =	sst s2;
	s2 =	simm.s32 @!p0 $0x0  }
0x10: {  	p1 =	por p1, !p3;
	s2 =	simm.s32 @p0 $0x1  }
0x11: {  	p0 =	seq.s32 @!p3 s3, $0x4;
	[smem:$0x7DF] =	sst s2;
	s2 =	simm.s32 @!p1 $0x0  }
0x12: {  	s2 =	simm.s32 @p1 $0x1;
	p1 =	por !p0, p3  }
0x13: {  	[smem:$0x7E0] =	sst s2;
	s2 =	simm.s32 @!p1 $0x0  }
0x14: {  	p0 =	por p0, p3;
	s2 =	simm.s32 @p1 $0x1;
	p1 =	sgt.s32 s3, $0xB  }
0x15: {  	[smem:$0x7E1] =	sst s2;
	s2 =	simm.s32 @!p0 $0x0;
	p4 =	sgt.s32 @p1 s3, $0xD  }
0x16: {  	s2 =	simm.s32 @p0 $0x1;
	p0 =	por !p4, !p1  }
0x17: {  	p3 =	seq.s32 @!p0 s3, $0xE  }
0x18: {  	p0 =	por @p1 !p3, !p4  }
0x19: {  	[smem:$0x7E2] =	sst s2;
	s2 =	simm.s32 @!p0 $0x0  }
0x1a: {  	p2 =	por p4, !p1;
	s2 =	simm.s32 @p0 $0x1;
	p0 =	por @p1 p3, !p4  }
0x1b: {  	p5 =	seq.s32 @!p2 s3, $0xC;
	[smem:$0x7E3] =	sst s2;
	s2 =	simm.s32 @!p0 $0x0  }
0x1c: {  	s2 =	simm.s32 @p0 $0x1;
	p0 =	por @p1 !p5, p4;
	s22 =	sld [smem:$0x7E3]  }
0x1d: {  	[smem:$0x7E5] =	sst s2;
	s2 =	simm.s32 @!p0 $0x0  }
0x1e: {  	s2 =	simm.s32 @p0 $0x1;
	p0 =	por @p1 p5, p4;
	s23 =	sld [smem:$0x7E5]  }
0x1f: {  	p5 =	sgt.s32 @!p1 s3, $0x9;
	[smem:$0x7E7] =	sst s2;
	s2 =	simm.s32 @!p0 $0x0  }
0x20: {  	p6 =	por !p5, p1;
	s2 =	simm.s32 @p0 $0x1;
	p0 =	por p5, p1  }
0x21: {  	p6 =	seq.s32 @!p6 s3, $0xA;
	s24 =	sld [smem:$0x7E7];
	p0 =	seq.s32 @!p0 s3, $0x8  }
0x22: {  	p2 =	por @!p1 !p6, !p5;
	p3 =	por @!p1 p6, !p5;
	p6 =	seq.s32 s22, $0x1  }
0x23: {  	p4 =	por @!p1 !p0, p5;
	p5 =	por @!p1 p0, p5;
	p0 =	por p6, !p1  }
0x24: {  	[smem:$0x7E9] =	sst s2;
	p6 =	seq.s32 s23, $0x1;
	s2 =	simm.s32 @!p0 $0x0  }
0x25: {  	s25 =	sld [smem:$0x7E9];
	s2 =	simm.s32 @p0 $0x1;
	p0 =	por p6, !p1  }
0x26: {  	p6 =	seq.s32 s24, $0x1;
	[smem:$0x7E4] =	sst s2;
	s2 =	simm.s32 @!p0 $0x0  }
0x27: {  	s2 =	simm.s32 @p0 $0x1;
	p0 =	por p6, !p1  }
0x28: {  	p6 =	seq.s32 s25, $0x1;
	[smem:$0x7E6] =	sst s2;
	s2 =	simm.s32 @!p0 $0x0  }
0x29: {  	s2 =	simm.s32 @p0 $0x1;
	p0 =	por p6, !p1  }
0x2a: {  	[smem:$0x7E8] =	sst s2;
	s2 =	simm.s32 @!p0 $0x0  }
0x2b: {  	s29 =	rddreg [dreg:$0x1];
	s2 =	simm.s32 @p0 $0x1;
	p0 =	por p2, p1  }
0x2c: {  	[smem:$0x7EA] =	sst s2;
	s2 =	simm.s32 @!p0 $0x0  }
0x2d: {  	s30 =	rddreg [dreg:$0x2];
	s2 =	simm.s32 @p0 $0x1;
	p0 =	por p3, p1  }
0x2e: {  	[smem:$0x7EB] =	sst s2;
	s2 =	simm.s32 @!p0 $0x0  }
0x2f: {  	s4 =	rddreg [dreg:$0x3];
	s2 =	simm.s32 @p0 $0x1;
	p0 =	por p4, p1  }
0x30: {  	[smem:$0x7EC] =	sst s2;
	s2 =	simm.s32 @!p0 $0x0  }
0x31: {  	s31 =	rddreg [dreg:$0x4];
	s2 =	simm.s32 @p0 $0x1;
	p0 =	por p5, p1  }
0x32: {  	s21 =	simm.s32 $0x0;
	[smem:$0x7ED] =	sst s2;
	s2 =	simm.s32 @!p0 $0x0  }
0x33: {  	[smem:$0x7FF] =	sst s21;
	s2 =	simm.s32 @p0 $0x1  }
0x34: {  	s5 =	sadd.s32 $0x2200, s4;
	[smem:$0x7EE] =	sst s2  }
0x35: {  	s7 =	sadd.s32 $0x57C0, s4;
	_ =	strace $0x80000047;
	[dreg:$0x9] =	wrdreg s5  }
0x36: {  	s9 =	sadd.s32 $0x1C00, s4;
	[dreg:$0xa] =	wrdreg s7  }
0x37: {  	s11 =	sadd.s32 $0x55C0, s4;
	[dreg:$0xb] =	wrdreg s9  }
0x38: {  	s12 =	sadd.s32 $0x1A00, s4;
	[dreg:$0xc] =	wrdreg s11  }
0x39: {  	s13 =	sadd.s32 $0x53C0, s4;
	[dreg:$0xd] =	wrdreg s12  }
0x3a: {  	s14 =	sadd.s32 $0x1800, s4;
	[dreg:$0xe] =	wrdreg s13  }
0x3b: {  	s15 =	sadd.s32 $0x51C0, s4;
	[dreg:$0xf] =	wrdreg s14  }
0x3c: {  	s16 =	sadd.s32 $0x1600, s4;
	[dreg:$0x10] =	wrdreg s15  }
0x3d: {  	s17 =	sadd.s32 $0x4FC0, s4;
	[dreg:$0x11] =	wrdreg s16  }
0x3e: {  	s18 =	sadd.s32 $0x1400, s4;
	[dreg:$0x12] =	wrdreg s17  }
0x3f: {  	s19 =	sadd.s32 $0x4DC0, s4;
	[dreg:$0x13] =	wrdreg s18  }
0x40: {  	s20 =	sadd.s32 $0x1200, s4;
	[dreg:$0x14] =	wrdreg s19  }
0x41: {  	s21 =	sadd.s32 $0x4BC0, s4;
	[dreg:$0x15] =	wrdreg s20  }
0x42: {  	s8 =	sadd.s32 $0x2000, s4;
	s22 =	sadd.s32 $0x1000, s4;
	[dreg:$0x16] =	wrdreg s21  }
0x43: {  	s6 =	sadd.s32 $0x800, s4;
	s23 =	sadd.s32 $0x49C0, s4;
	[dreg:$0x17] =	wrdreg s22  }
0x44: {  	s1 =	ssub.s32 $0x2, s1;
	s24 =	sadd.s32 $0xE00, s4;
	[dreg:$0x18] =	wrdreg s23  }
0x45: {  	s26 =	sshrl.u32 s1, $0x1;
	s25 =	sadd.s32 $0x47C0, s4;
	[dreg:$0x19] =	wrdreg s24  }
0x46: {  	s10 =	ssub.s32 s1, s26;
	s26 =	sadd.s32 $0xC00, s4;
	[dreg:$0x1a] =	wrdreg s25  }
0x47: {  	p0 =	sgt.s32 s3, $0x3;
	s2 =	sadd.s32 $0x45C0, s4;
	[dreg:$0x1b] =	wrdreg s26  }
0x48: {  	s28 =	sadd.s32 $0x800, s30;
	s1 =	simm.s32 @!p0 $0x0;
	[dreg:$0x1c] =	wrdreg s2  }
0x49: {  	s5 =	sadd.s32 $0xA00, s4;
	s7 =	sadd.s32 $0x43C0, s4;
	s9 =	sadd.s32 $0x4340, s4  }
0x4a: {  	s2 =	sadd.s32 $0x3F40, s4;
	s12 =	sadd.s32 $0x3EE0, s4;
	[dreg:$0x1d] =	wrdreg s5  }
0x4b: {  	s13 =	sadd.s32 $0x3CE0, s4;
	s14 =	sadd.s32 $0x3AE0, s4;
	[dreg:$0x1e] =	wrdreg s7  }
0x4c: {  	s15 =	sadd.s32 $0x36E0, s4;
	s11 =	sadd.s32 $0x2CE0, s4;
	[dreg:$0x1f] =	wrdreg s9  }
0x4d: {  	s16 =	sadd.s32 $0x34E0, s4;
	s20 =	sadd.s32 $0x2AE0, s4;
	[smem:$0x7EF] =	sst s11  }
0x4e: {  	s17 =	sadd.s32 $0x32E0, s4;
	s21 =	sadd.s32 $0x28E0, s4;
	[smem:$0x7F0] =	sst s20  }
0x4f: {  	s18 =	sadd.s32 $0x30E0, s4;
	s22 =	sadd.s32 $0x26E0, s4;
	[smem:$0x7F1] =	sst s21  }
0x50: {  	s19 =	sadd.s32 $0x2EE0, s4;
	s23 =	sadd.s32 $0x2660, s4;
	[smem:$0x7F2] =	sst s22  }
0x51: {  	s24 =	sadd.s32 $0x2460, s4;
	s25 =	sadd.s32 $0x2260, s4;
	[smem:$0x7F3] =	sst s23  }
0x52: {  	s26 =	sadd.s32 $0x59C0, s4;
	s1 =	simm.s32 @p0 $0x1;
	[smem:$0x7F4] =	sst s24  }
0x53: {  	s9 =	sadd.s32 $0x4140, s4;
	s5 =	sadd.s32 $0x38E0, s4;
	[smem:$0x7F5] =	sst s25  }
0x54: {  	[smem:$0x7F6] =	sst s26;
	s4 =	sadd.s32 $0x1E00, s4;
	s22 =	smax.u32 s10, $0x1  }
0x55: {  	[smem:$0x7F8] =	sst s1;
	s25 =	sadd.s32 $0x1600, s30;
	s26 =	sadd.s32 $0x1400, s30  }
0x56: {  	s20 =	sadd.s32 $0x1200, s30;
	s21 =	sadd.s32 $0x1000, s30;
	s10 =	sadd.s32 $0xC00, s30  }
0x57: {  	s11 =	sadd.s32 $0xA00, s30;
	s7 =	sadd.s32 $0x600, s30;
	[smem:$0x7F7] =	sst s4  }
.Ltmp0:
0x58: {  	[smem:$0x7F9] =	sst s7;
	s7 =	sadd.s32 $0x400, s30;
	(pc) =	sbr.rel .LBB2_1-.Ltmp0, $4  }
0x59: {  	s4 =	sadd.s32 $0xE00, s30;
	s30 =	sadd.s32 $0x200, s30;
	[smem:$0x7FA] =	sst s7  }
0x5a: {  	p6 =	sgt.s32 s3, $0xF;
	[smem:$0x7FB] =	sst s30;
	s7 =	sadd.s32 $0x400, s29  }
0x5b: {  	p2 =	sgt.s32 s3, $0x7;
	s30 =	sadd.s32 $0x200, s29;
	[smem:$0x7FC] =	sst s7  }
0x5c: {  	s23 =	sadd.s32 $0x400, s31;
	s24 =	sadd.s32 $0x200, s31;
	[smem:$0x7FD] =	sst s30  }
.LBB2_6:
0x5d: {  	s1 =	sld [smem:$0x7E4];
	_ =	sdelay $0x2  }
0x5e: {  	p0 =	seq.s32 s1, $0x1  }
0x5f: {  	s29 =	sshll.u32 @!p0 s0, $0x6  }
0x60: {  	s29 =	sor.u32 @!p0 $0x1C01, s29  }
0x61: {  	[hbm:s14], [sflag:s29] =	dma.local @!p0 [hbm:s26], $0x200  }
0x62: {  	s29 =	simm.s32 @!p0 $0x1  }
0x63: {  	_ =	swait.ge @!p0 [sflag:s29], $0x200  }
0x64: {  	s30 =	sld [smem:$0x7E6];
	_ =	sdelay $0x2  }
0x65: {  	p3 =	seq.s32 s30, $0x1  }
0x66: {  	[sflag:s29] =	ssyncset.done @!p0 $0x0;
	s30 =	sshll.u32 @!p3 s0, $0x6  }
0x67: {  	[sflag:s29] =	ssyncadd.s32 @!p0 $0xFFFFFE00;
	s29 =	sor.u32 @!p3 $0x1C01, s30  }
0x68: {  	[hbm:s13], [sflag:s29] =	dma.local @!p3 [hbm:s25], $0x200  }
0x69: {  	s29 =	simm.s32 @!p3 $0x1  }
0x6a: {  	_ =	swait.ge @!p3 [sflag:s29], $0x200  }
0x6b: {  	s7 =	sld [smem:$0x7E8];
	_ =	sdelay $0x2  }
0x6c: {  	p0 =	seq.s32 s7, $0x1  }
0x6d: {  	[sflag:s29] =	ssyncset.done @!p3 $0x0;
	s30 =	sshll.u32 @!p0 s0, $0x6  }
0x6e: {  	[sflag:s29] =	ssyncadd.s32 @!p3 $0xFFFFFE00;
	s29 =	sor.u32 @!p0 $0x1C01, s30  }
0x6f: {  	[hbm:s15], [sflag:s29] =	dma.local @!p0 [hbm:s21], $0x200  }
0x70: {  	s29 =	simm.s32 @!p0 $0x1  }
0x71: {  	_ =	swait.ge @!p0 [sflag:s29], $0x200  }
0x72: {  	s30 =	sld [smem:$0x7EA];
	_ =	sdelay $0x2  }
0x73: {  	p3 =	seq.s32 s30, $0x1  }
0x74: {  	[sflag:s29] =	ssyncset.done @!p0 $0x0;
	s30 =	sshll.u32 @!p3 s0, $0x6  }
0x75: {  	[sflag:s29] =	ssyncadd.s32 @!p0 $0xFFFFFE00;
	s29 =	sor.u32 @!p3 $0x1C01, s30  }
0x76: {  	[hbm:s5], [sflag:s29] =	dma.local @!p3 [hbm:s20], $0x200  }
0x77: {  	s29 =	simm.s32 @!p3 $0x1  }
0x78: {  	_ =	swait.ge @!p3 [sflag:s29], $0x200  }
0x79: {  	s7 =	sld [smem:$0x7EB];
	_ =	sdelay $0x2  }
0x7a: {  	p0 =	seq.s32 s7, $0x1  }
0x7b: {  	[sflag:s29] =	ssyncset.done @!p3 $0x0;
	s30 =	sshll.u32 @!p0 s0, $0x6  }
0x7c: {  	[sflag:s29] =	ssyncadd.s32 @!p3 $0xFFFFFE00;
	s29 =	sor.u32 @!p0 $0x1C01, s30  }
0x7d: {  	[hbm:s17], [sflag:s29] =	dma.local @!p0 [hbm:s10], $0x200  }
0x7e: {  	s29 =	simm.s32 @!p0 $0x1  }
0x7f: {  	_ =	swait.ge @!p0 [sflag:s29], $0x200  }
0x80: {  	s30 =	sld [smem:$0x7EC];
	_ =	sdelay $0x2  }
0x81: {  	p3 =	seq.s32 s30, $0x1  }
0x82: {  	[sflag:s29] =	ssyncset.done @!p0 $0x0;
	s30 =	sshll.u32 @!p3 s0, $0x6  }
0x83: {  	[sflag:s29] =	ssyncadd.s32 @!p0 $0xFFFFFE00;
	s29 =	sor.u32 @!p3 $0x1C01, s30  }
0x84: {  	[hbm:s16], [sflag:s29] =	dma.local @!p3 [hbm:s4], $0x200  }
0x85: {  	s29 =	simm.s32 @!p3 $0x1  }
0x86: {  	_ =	swait.ge @!p3 [sflag:s29], $0x200  }
0x87: {  	s7 =	sld [smem:$0x7ED];
	_ =	sdelay $0x2  }
0x88: {  	p0 =	seq.s32 s7, $0x1  }
0x89: {  	[sflag:s29] =	ssyncset.done @!p3 $0x0;
	s30 =	sshll.u32 @!p0 s0, $0x6  }
0x8a: {  	[sflag:s29] =	ssyncadd.s32 @!p3 $0xFFFFFE00;
	s29 =	sor.u32 @!p0 $0x1C01, s30  }
0x8b: {  	[hbm:s19], [sflag:s29] =	dma.local @!p0 [hbm:s28], $0x200  }
0x8c: {  	s29 =	simm.s32 @!p0 $0x1  }
0x8d: {  	_ =	swait.ge @!p0 [sflag:s29], $0x200  }
0x8e: {  	s30 =	sld [smem:$0x7EE];
	_ =	sdelay $0x2  }
0x8f: {  	p1 =	seq.s32 s30, $0x1  }
0x90: {  	[sflag:s29] =	ssyncset.done @!p0 $0x0;
	s30 =	sshll.u32 @!p1 s0, $0x6  }
0x91: {  	[sflag:s29] =	ssyncadd.s32 @!p0 $0xFFFFFE00;
	s29 =	sor.u32 @!p1 $0x1C01, s30  }
0x92: {  	[hbm:s18], [sflag:s29] =	dma.local @!p1 [hbm:s11], $0x200  }
0x93: {  	s29 =	simm.s32 @!p1 $0x1  }
0x94: {  	_ =	swait.ge @!p1 [sflag:s29], $0x200  }
0x95: {  	[sflag:s29] =	ssyncset.done @!p1 $0x0  }
0x96: {  	[sflag:s29] =	ssyncadd.s32 @!p1 $0xFFFFFE00  }
.LBB2_12:
0x97: {  	s22 =	sadd.s32 $0xFFFFFFFF, s22  }
0x98: {  	p0 =	sne.s32 s22, $0x0  }
.Ltmp1:
0x99: {  	_ = 	snop;
	(pc) =	sbr.rel @!p0 .LBB2_13-.Ltmp1, $1  }
0x9a: {  	_ =	sdelay $0x3  }
.LBB2_1:
.Ltmp2:
0x9b: {  	(pc) =	sbr.rel @p6 .LBB2_7-.Ltmp2, $1  }
0x9c: {  	_ =	sdelay $0x3  }
.Ltmp3:
0x9d: {  	(pc) =	sbr.rel @p2 .LBB2_6-.Ltmp3, $1  }
0x9e: {  	_ =	sdelay $0x3  }
0x9f: {  	s1 =	sld [smem:$0x7F8];
	_ =	sdelay $0x2  }
0xa0: {  	p0 =	seq.s32 s1, $0x1  }
.Ltmp4:
0xa1: {  	_ = 	snop;
	(pc) =	sbr.rel @p0 .LBB2_5-.Ltmp4, $1  }
0xa2: {  	_ =	sdelay $0x3  }
0xa3: {  	s1 =	sld [smem:$0x7DB];
	_ =	sdelay $0x1  }
0xa4: {  	s7 =	sld [smem:$0x7FD]  }
0xa5: {  	p0 =	seq.s32 s1, $0x1;
	s1 =	sld [smem:$0x7F4]  }
0xa6: {  	s29 =	sshll.u32 @!p0 s0, $0x6  }
0xa7: {  	s29 =	sor.u32 @!p0 $0x1C01, s29  }
0xa8: {  	[hbm:s1], [sflag:s29] =	dma.local @!p0 [hbm:s7], $0x200  }
0xa9: {  	s29 =	simm.s32 @!p0 $0x1  }
0xaa: {  	_ =	swait.ge @!p0 [sflag:s29], $0x200  }
0xab: {  	s30 =	sld [smem:$0x7DC];
	_ =	sdelay $0x1  }
0xac: {  	s1 =	sld [smem:$0x7F3]  }
0xad: {  	s7 =	sld [smem:$0x7FC];
	p3 =	seq.s32 s30, $0x1  }
0xae: {  	[sflag:s29] =	ssyncset.done @!p0 $0x0;
	s30 =	sshll.u32 @!p3 s0, $0x6  }
0xaf: {  	[sflag:s29] =	ssyncadd.s32 @!p0 $0xFFFFFE00;
	s29 =	sor.u32 @!p3 $0x1C01, s30  }
0xb0: {  	[hbm:s1], [sflag:s29] =	dma.local @!p3 [hbm:s7], $0x80  }
0xb1: {  	s29 =	simm.s32 @!p3 $0x1  }
0xb2: {  	_ =	swait.ge @!p3 [sflag:s29], $0x80  }
0xb3: {  	s7 =	sld [smem:$0x7DD];
	_ =	sdelay $0x2  }
0xb4: {  	[sflag:s29] =	ssyncset.done @!p3 $0x0;
	p0 =	seq.s32 s7, $0x1  }
0xb5: {  	s1 =	rddreg [dreg:$0x9];
	[sflag:s29] =	ssyncadd.s32 @!p3 $0xFFFFFF80;
	s30 =	sshll.u32 @!p0 s0, $0x6  }
0xb6: {  	s29 =	sor.u32 @!p0 $0x1C01, s30;
	s30 =	rddreg [dreg:$0x0]  }
0xb7: {  	[hbm:s1], [sflag:s29] =	dma.local @!p0 [hbm:s30], $0x60  }
0xb8: {  	s30 =	simm.s32 @!p0 $0x1  }
0xb9: {  	_ =	swait.ge @!p0 [sflag:s30], $0x60  }
0xba: {  	s1 =	sld [smem:$0x7F6]  }
0xbb: {  	s7 =	sld [smem:$0x7F7]  }
0xbc: {  	[sflag:s30] =	ssyncset.done @!p0 $0x0  }
0xbd: {  	[sflag:s30] =	ssyncadd.s32 @!p0 $0xFFFFFFA0  }
0xbe: {  	[hbm:s1], [sflag:s29] =	dma.local @!p0 [hbm:s7], $0x200  }
0xbf: {  	_ =	swait.ge @!p0 [sflag:s30], $0x200  }
0xc0: {  	s29 =	sld [smem:$0x7DE];
	_ =	sdelay $0x2  }
0xc1: {  	[sflag:s30] =	ssyncset.done @!p0 $0x0;
	s1 =	sld [smem:$0x7F5];
	p3 =	seq.s32 s29, $0x1  }
0xc2: {  	[sflag:s30] =	ssyncadd.s32 @!p0 $0xFFFFFE00;
	s29 =	sshll.u32 @!p3 s0, $0x6  }
0xc3: {  	s30 =	rddreg [dreg:$0x1];
	s29 =	sor.u32 @!p3 $0x1C01, s29  }
0xc4: {  	[hbm:s1], [sflag:s29] =	dma.local @!p3 [hbm:s30], $0x200  }
.Ltmp5:
0xc5: {  	_ = 	snop;
	(pc) =	sbr.rel .LBB2_12-.Ltmp5, $4  }
0xc6: {  	s29 =	simm.s32 @!p3 $0x1  }
0xc7: {  	_ =	swait.ge @!p3 [sflag:s29], $0x200  }
0xc8: {  	[sflag:s29] =	ssyncset.done @!p3 $0x0  }
0xc9: {  	[sflag:s29] =	ssyncadd.s32 @!p3 $0xFFFFFE00  }
.LBB2_7:
0xca: {  	p3 =	sgt.s32 s3, $0x17  }
.Ltmp6:
0xcb: {  	_ = 	snop;
	(pc) =	sbr.rel @p3 .LBB2_9-.Ltmp6, $1  }
0xcc: {  	_ =	sdelay $0x3  }
0xcd: {  	p3 =	sgt.s32 s3, $0x13  }
0xce: {  	p4 =	sgt.s32 @p3 s3, $0x15  }
0xcf: {  	p5 =	por !p4, !p3  }
0xd0: {  	p5 =	seq.s32 @!p5 s3, $0x16  }
0xd1: {  	p1 =	por p2, p2;
	p2 =	por p6, p6;
	p6 =	por @p3 !p5, !p4  }
0xd2: {  	p6 =	por p6, !p3  }
0xd3: {  	s1 =	rddreg [dreg:$0x1a];
	s29 =	sshll.u32 @!p6 s0, $0x6  }
0xd4: {  	s7 =	rddreg [dreg:$0x1b];
	s29 =	sor.u32 @!p6 $0x1C01, s29  }
0xd5: {  	[hbm:s1], [sflag:s29] =	dma.local @!p6 [hbm:s7], $0x200  }
0xd6: {  	s29 =	simm.s32 @!p6 $0x1  }
0xd7: {  	p5 =	por @p3 p5, !p4;
	_ =	swait.ge @!p6 [sflag:s29], $0x200  }
0xd8: {  	p5 =	por p5, !p3;
	s1 =	rddreg [dreg:$0x18]  }
0xd9: {  	s30 =	sshll.u32 @!p5 s0, $0x6;
	[sflag:s29] =	ssyncset.done @!p6 $0x0;
	s7 =	rddreg [dreg:$0x19]  }
0xda: {  	[sflag:s29] =	ssyncadd.s32 @!p6 $0xFFFFFE00;
	s29 =	sor.u32 @!p5 $0x1C01, s30;
	p6 =	por p4, !p3  }
0xdb: {  	[hbm:s1], [sflag:s29] =	dma.local @!p5 [hbm:s7], $0x200  }
0xdc: {  	p6 =	seq.s32 @!p6 s3, $0x14  }
0xdd: {  	s29 =	simm.s32 @!p5 $0x1;
	p0 =	por @p3 !p6, p4  }
0xde: {  	_ =	swait.ge @!p5 [sflag:s29], $0x200;
	p0 =	por p0, !p3  }
0xdf: {  	[sflag:s29] =	ssyncset.done @!p5 $0x0;
	s30 =	sshll.u32 @!p0 s0, $0x6  }
0xe0: {  	s1 =	rddreg [dreg:$0x1e];
	[sflag:s29] =	ssyncadd.s32 @!p5 $0xFFFFFE00;
	s29 =	sor.u32 @!p0 $0x1C01, s30  }
0xe1: {  	[hbm:s1], [sflag:s29] =	dma.local @!p0 [hbm:s6], $0x200  }
0xe2: {  	s29 =	simm.s32 @!p0 $0x1  }
0xe3: {  	p4 =	por @p3 p6, p4;
	_ =	swait.ge @!p0 [sflag:s29], $0x200  }
0xe4: {  	p5 =	por p4, !p3;
	p4 =	sgt.s32 @!p3 s3, $0x11;
	s1 =	rddreg [dreg:$0x1c]  }
0xe5: {  	s30 =	sshll.u32 @!p5 s0, $0x6;
	[sflag:s29] =	ssyncset.done @!p0 $0x0;
	s7 =	rddreg [dreg:$0x1d]  }
0xe6: {  	[sflag:s29] =	ssyncadd.s32 @!p0 $0xFFFFFE00;
	s29 =	sor.u32 @!p5 $0x1C01, s30;
	p0 =	por !p4, p3  }
0xe7: {  	[hbm:s1], [sflag:s29] =	dma.local @!p5 [hbm:s7], $0x200  }
0xe8: {  	p0 =	seq.s32 @!p0 s3, $0x12  }
0xe9: {  	s29 =	simm.s32 @!p5 $0x1;
	p6 =	por @!p3 !p0, !p4  }
0xea: {  	_ =	swait.ge @!p5 [sflag:s29], $0x200;
	p6 =	por p6, p3  }
0xeb: {  	[sflag:s29] =	ssyncset.done @!p5 $0x0;
	s30 =	sshll.u32 @!p6 s0, $0x6  }
0xec: {  	[sflag:s29] =	ssyncadd.s32 @!p5 $0xFFFFFE00;
	s29 =	sor.u32 @!p6 $0x1C01, s30  }
0xed: {  	[hbm:s9], [sflag:s29] =	dma.local @!p6 [hbm:s24], $0x200  }
0xee: {  	p0 =	por @!p3 p0, !p4;
	s29 =	simm.s32 @!p6 $0x1  }
0xef: {  	p0 =	por p0, p3;
	p5 =	por p4, p3;
	_ =	swait.ge @!p6 [sflag:s29], $0x200  }
0xf0: {  	s30 =	sshll.u32 @!p0 s0, $0x6;
	p5 =	seq.s32 @!p5 s3, $0x10;
	[sflag:s29] =	ssyncset.done @!p6 $0x0  }
0xf1: {  	s1 =	rddreg [dreg:$0x1f];
	[sflag:s29] =	ssyncadd.s32 @!p6 $0xFFFFFE00;
	s29 =	sor.u32 @!p0 $0x1C01, s30  }
0xf2: {  	[hbm:s1], [sflag:s29] =	dma.local @!p0 [hbm:s23], $0x80  }
0xf3: {  	p6 =	por @!p3 !p5, p4;
	s29 =	simm.s32 @!p0 $0x1  }
0xf4: {  	p6 =	por p6, p3;
	_ =	swait.ge @!p0 [sflag:s29], $0x80  }
0xf5: {  	s30 =	sshll.u32 @!p6 s0, $0x6;
	[sflag:s29] =	ssyncset.done @!p0 $0x0  }
0xf6: {  	[sflag:s29] =	ssyncadd.s32 @!p0 $0xFFFFFF80;
	s29 =	sor.u32 @!p6 $0x1C01, s30  }
0xf7: {  	[hbm:s12], [sflag:s29] =	dma.local @!p6 [hbm:s8], $0x60  }
0xf8: {  	p0 =	por @!p3 p5, p4;
	s29 =	simm.s32 @!p6 $0x1  }
0xf9: {  	p0 =	por p0, p3;
	_ =	swait.ge @!p6 [sflag:s29], $0x60  }
0xfa: {  	s30 =	sshll.u32 @!p0 s0, $0x6;
	[sflag:s29] =	ssyncset.done @!p6 $0x0  }
0xfb: {  	[sflag:s29] =	ssyncadd.s32 @!p6 $0xFFFFFFA0;
	s29 =	sor.u32 @!p0 $0x1C01, s30  }
0xfc: {  	[hbm:s2], [sflag:s29] =	dma.local @!p0 [hbm:s31], $0x200  }
.Ltmp7:
0xfd: {  	_ = 	snop;
	(pc) =	sbr.rel .LBB2_12-.Ltmp7, $4  }
0xfe: {  	s29 =	simm.s32 @!p0 $0x1  }
0xff: {  	_ =	swait.ge @!p0 [sflag:s29], $0x200  }
0x100: {  	[sflag:s29] =	ssyncset.done @!p0 $0x0  }
0x101: {  	p6 =	por p2, p2;
	p2 =	por p1, p1;
	[sflag:s29] =	ssyncadd.s32 @!p0 $0xFFFFFE00  }
.LBB2_9:
0x102: {  	p0 =	sgt.s32 s3, $0x1B  }
.Ltmp8:
0x103: {  	_ = 	snop;
	(pc) =	sbr.rel @p0 .LBB2_11-.Ltmp8, $1  }
0x104: {  	_ =	sdelay $0x3  }
0x105: {  	p3 =	sgt.s32 s3, $0x19  }
0x106: {  	p0 =	seq.s32 @p3 s3, $0x1A  }
0x107: {  	p4 =	por !p0, !p3  }
0x108: {  	s1 =	rddreg [dreg:$0x12];
	s29 =	sshll.u32 @!p4 s0, $0x6  }
0x109: {  	s7 =	rddreg [dreg:$0x13];
	s29 =	sor.u32 @!p4 $0x1C01, s29  }
0x10a: {  	[hbm:s1], [sflag:s29] =	dma.local @!p4 [hbm:s7], $0x200  }
0x10b: {  	s29 =	simm.s32 @!p4 $0x1  }
0x10c: {  	p0 =	por p0, !p3;
	_ =	swait.ge @!p4 [sflag:s29], $0x200  }
0x10d: {  	s30 =	sshll.u32 @!p0 s0, $0x6;
	[sflag:s29] =	ssyncset.done @!p4 $0x0;
	s1 =	rddreg [dreg:$0x10]  }
0x10e: {  	s7 =	rddreg [dreg:$0x11];
	[sflag:s29] =	ssyncadd.s32 @!p4 $0xFFFFFE00;
	s29 =	sor.u32 @!p0 $0x1C01, s30  }
0x10f: {  	[hbm:s1], [sflag:s29] =	dma.local @!p0 [hbm:s7], $0x200  }
0x110: {  	p4 =	seq.s32 @!p3 s3, $0x18;
	s29 =	simm.s32 @!p0 $0x1  }
0x111: {  	p5 =	por !p4, p3;
	_ =	swait.ge @!p0 [sflag:s29], $0x200  }
0x112: {  	s30 =	sshll.u32 @!p5 s0, $0x6;
	[sflag:s29] =	ssyncset.done @!p0 $0x0;
	s1 =	rddreg [dreg:$0x16]  }
0x113: {  	s7 =	rddreg [dreg:$0x17];
	[sflag:s29] =	ssyncadd.s32 @!p0 $0xFFFFFE00;
	s29 =	sor.u32 @!p5 $0x1C01, s30  }
0x114: {  	[hbm:s1], [sflag:s29] =	dma.local @!p5 [hbm:s7], $0x200  }
0x115: {  	s29 =	simm.s32 @!p5 $0x1  }
0x116: {  	p0 =	por p4, p3;
	_ =	swait.ge @!p5 [sflag:s29], $0x200  }
0x117: {  	s30 =	sshll.u32 @!p0 s0, $0x6;
	[sflag:s29] =	ssyncset.done @!p5 $0x0;
	s1 =	rddreg [dreg:$0x14]  }
0x118: {  	s7 =	rddreg [dreg:$0x15];
	[sflag:s29] =	ssyncadd.s32 @!p5 $0xFFFFFE00;
	s29 =	sor.u32 @!p0 $0x1C01, s30  }
0x119: {  	[hbm:s1], [sflag:s29] =	dma.local @!p0 [hbm:s7], $0x200  }
.Ltmp9:
0x11a: {  	_ = 	snop;
	(pc) =	sbr.rel .LBB2_12-.Ltmp9, $4  }
0x11b: {  	s29 =	simm.s32 @!p0 $0x1  }
0x11c: {  	_ =	swait.ge @!p0 [sflag:s29], $0x200  }
0x11d: {  	[sflag:s29] =	ssyncset.done @!p0 $0x0  }
0x11e: {  	[sflag:s29] =	ssyncadd.s32 @!p0 $0xFFFFFE00  }
.LBB2_5:
0x11f: {  	s1 =	sld [smem:$0x7DF];
	_ =	sdelay $0x1  }
0x120: {  	s7 =	sld [smem:$0x7FA]  }
0x121: {  	p0 =	seq.s32 s1, $0x1;
	s1 =	sld [smem:$0x7F0]  }
0x122: {  	s29 =	sshll.u32 @!p0 s0, $0x6  }
0x123: {  	s29 =	sor.u32 @!p0 $0x1C01, s29  }
0x124: {  	[hbm:s1], [sflag:s29] =	dma.local @!p0 [hbm:s7], $0x200  }
0x125: {  	s29 =	simm.s32 @!p0 $0x1  }
0x126: {  	_ =	swait.ge @!p0 [sflag:s29], $0x200  }
0x127: {  	s30 =	sld [smem:$0x7E0];
	_ =	sdelay $0x1  }
0x128: {  	s1 =	sld [smem:$0x7EF]  }
0x129: {  	s7 =	sld [smem:$0x7F9];
	p3 =	seq.s32 s30, $0x1  }
0x12a: {  	[sflag:s29] =	ssyncset.done @!p0 $0x0;
	s30 =	sshll.u32 @!p3 s0, $0x6  }
0x12b: {  	[sflag:s29] =	ssyncadd.s32 @!p0 $0xFFFFFE00;
	s29 =	sor.u32 @!p3 $0x1C01, s30  }
0x12c: {  	[hbm:s1], [sflag:s29] =	dma.local @!p3 [hbm:s7], $0x200  }
0x12d: {  	s29 =	simm.s32 @!p3 $0x1  }
0x12e: {  	_ =	swait.ge @!p3 [sflag:s29], $0x200  }
0x12f: {  	s7 =	sld [smem:$0x7E1];
	_ =	sdelay $0x2  }
0x130: {  	[sflag:s29] =	ssyncset.done @!p3 $0x0;
	s1 =	sld [smem:$0x7F2];
	p0 =	seq.s32 s7, $0x1  }
0x131: {  	[sflag:s29] =	ssyncadd.s32 @!p3 $0xFFFFFE00;
	s30 =	sshll.u32 @!p0 s0, $0x6  }
0x132: {  	s29 =	sor.u32 @!p0 $0x1C01, s30;
	s30 =	rddreg [dreg:$0x2]  }
0x133: {  	[hbm:s1], [sflag:s29] =	dma.local @!p0 [hbm:s30], $0x200  }
0x134: {  	s29 =	simm.s32 @!p0 $0x1  }
0x135: {  	_ =	swait.ge @!p0 [sflag:s29], $0x200  }
0x136: {  	s30 =	sld [smem:$0x7E2];
	_ =	sdelay $0x1  }
0x137: {  	s1 =	sld [smem:$0x7F1]  }
0x138: {  	s7 =	sld [smem:$0x7FB];
	p3 =	seq.s32 s30, $0x1  }
0x139: {  	[sflag:s29] =	ssyncset.done @!p0 $0x0;
	s30 =	sshll.u32 @!p3 s0, $0x6  }
0x13a: {  	[sflag:s29] =	ssyncadd.s32 @!p0 $0xFFFFFE00;
	s29 =	sor.u32 @!p3 $0x1C01, s30  }
0x13b: {  	[hbm:s1], [sflag:s29] =	dma.local @!p3 [hbm:s7], $0x200  }
.Ltmp10:
0x13c: {  	_ = 	snop;
	(pc) =	sbr.rel .LBB2_12-.Ltmp10, $4  }
0x13d: {  	s29 =	simm.s32 @!p3 $0x1  }
0x13e: {  	_ =	swait.ge @!p3 [sflag:s29], $0x200  }
0x13f: {  	[sflag:s29] =	ssyncset.done @!p3 $0x0  }
0x140: {  	[sflag:s29] =	ssyncadd.s32 @!p3 $0xFFFFFE00  }
.LBB2_11:
0x141: {  	p3 =	sgt.s32 s3, $0x1D  }
0x142: {  	p0 =	seq.s32 @p3 s3, $0x1E  }
0x143: {  	p5 =	por !p0, !p3  }
0x144: {  	s1 =	rddreg [dreg:$0xa];
	s29 =	sshll.u32 @!p5 s0, $0x6  }
0x145: {  	s7 =	rddreg [dreg:$0xb];
	s29 =	sor.u32 @!p5 $0x1C01, s29  }
0x146: {  	[hbm:s1], [sflag:s29] =	dma.local @!p5 [hbm:s7], $0x200  }
0x147: {  	s29 =	simm.s32 @!p5 $0x1  }
0x148: {  	_ =	swait.ge @!p5 [sflag:s29], $0x200  }
0x149: {  	p4 =	por p0, !p3;
	[sflag:s29] =	ssyncset.done @!p5 $0x0  }
0x14a: {  	s30 =	simm.s32 @!p4 $0x1;
	s7 =	smov.u32 s6;
	[sflag:s29] =	ssyncadd.s32 @!p5 $0xFFFFFE00  }
0x14b: {  	s6 =	smov.u32 s8;
	s29 =	simm.s32 @!p4 $0x0;
	s8 =	rddreg [dreg:$0x5]  }
0x14c: {  	[tilespmem:s29], [sflag:$0x1] =	stream.linear.gather @!p4 [hbm4b:s8+s29], $0x80, $0x38;
	[tilespmem:$0x200] =	vst v63  }
0x14d: {  	_ =	swait.ge @!p4 [sflag:s30], $0x80  }
0x14e: {  	[sflag:s30] =	ssyncset.done @!p4 $0x0  }
0x14f: {  	[sflag:s30] =	ssyncadd.s32 @!p4 $0xFFFFFF80  }
0x150: {  	s8 =	smov.u32 s31;
	s31 =	simm.s32 @!p4 $0x80;
	s1 =	rddreg [dreg:$0x6]  }
0x151: {  	[tilespmem:s31], [sflag:$0x1] =	stream.linear.gather @!p4 [hbm4b:s1+s29], $0x80, $0x38;
	[tilespmem:$0x200] =	vst v63  }
0x152: {  	_ =	swait.ge @!p4 [sflag:s30], $0x80  }
0x153: {  	[sflag:s30] =	ssyncset.done @!p4 $0x0  }
0x154: {  	[sflag:s30] =	ssyncadd.s32 @!p4 $0xFFFFFF80  }
0x155: {  	v0 =	vld @!p4 [tilespmem:$0x0]  }
0x156: {  	v1 =	vld @!p4 [tilespmem:$0x80]  }
0x157: {  	v2 =	vld @!p4 [tilespmem:$0x10]  }
0x158: {  	v3 =	vld @!p4 [tilespmem:$0x90]  }
0x159: {  	v4 =	vld @!p4 [tilespmem:$0x20]  }
0x15a: {  	[tilespmem:$0x100] =	vst @!p4 v0;
	v0 =	vld @!p4 [tilespmem:$0xA0]  }
0x15b: {  	[tilespmem:$0x14D] =	vst @!p4 v1;
	v1 =	vld @!p4 [tilespmem:$0x30]  }
0x15c: {  	[tilespmem:$0x110] =	vst @!p4 v2;
	v2 =	vld @!p4 [tilespmem:$0xB0]  }
0x15d: {  	[tilespmem:$0x15D] =	vst @!p4 v3;
	v3 =	vld @!p4 [tilespmem:$0x3D]  }
0x15e: {  	[tilespmem:$0x120] =	vst @!p4 v4;
	v4 =	vld @!p4 [tilespmem:$0xBD]  }
0x15f: {  	[tilespmem:$0x16D] =	vst @!p4 v0  }
0x160: {  	[tilespmem:$0x130] =	vst @!p4 v1  }
0x161: {  	[tilespmem:$0x17D] =	vst @!p4 v2  }
0x162: {  	[tilespmem:$0x13D] =	vst @!p4 v3  }
0x163: {  	p0 =	seq.s32 @!p3 s3, $0x1C;
	s31 =	simm.s32 @!p4 $0x100;
	s1 =	rddreg [dreg:$0x7];
	[tilespmem:$0x18A] =	vst @!p4 v4  }
0x164: {  	[hbm4b:s1+s29] =	stream.linear.scatter @!p4 [tilespmem:s31], [sflag:$0x1], $0x100, $0x38;
	[tilespmem:$0x200] =	vst v63  }
0x165: {  	p5 =	por !p0, p3;
	s31 =	smov.u32 s8  }
0x166: {  	s8 =	smov.u32 s6;
	s6 =	smov.u32 s7;
	_ =	swait.ge @!p4 [sflag:s30], $0x100  }
0x167: {  	s29 =	sshll.u32 @!p5 s0, $0x6;
	[sflag:s30] =	ssyncset.done @!p4 $0x0;
	s1 =	rddreg [dreg:$0xe]  }
0x168: {  	s29 =	sor.u32 @!p5 $0x1C01, s29;
	s7 =	rddreg [dreg:$0xf];
	[sflag:s30] =	ssyncadd.s32 @!p4 $0xFFFFFF00  }
0x169: {  	[hbm:s1], [sflag:s29] =	dma.local @!p5 [hbm:s7], $0x200  }
0x16a: {  	s29 =	simm.s32 @!p5 $0x1  }
0x16b: {  	p0 =	por p0, p3;
	_ =	swait.ge @!p5 [sflag:s29], $0x200  }
0x16c: {  	s30 =	sshll.u32 @!p0 s0, $0x6;
	[sflag:s29] =	ssyncset.done @!p5 $0x0;
	s1 =	rddreg [dreg:$0xc]  }
0x16d: {  	s7 =	rddreg [dreg:$0xd];
	[sflag:s29] =	ssyncadd.s32 @!p5 $0xFFFFFE00;
	s29 =	sor.u32 @!p0 $0x1C01, s30  }
0x16e: {  	[hbm:s1], [sflag:s29] =	dma.local @!p0 [hbm:s7], $0x200  }
.Ltmp11:
0x16f: {  	_ = 	snop;
	(pc) =	sbr.rel .LBB2_12-.Ltmp11, $4  }
0x170: {  	s29 =	simm.s32 @!p0 $0x1  }
0x171: {  	_ =	swait.ge @!p0 [sflag:s29], $0x200  }
0x172: {  	[sflag:s29] =	ssyncset.done @!p0 $0x0  }
0x173: {  	[sflag:s29] =	ssyncadd.s32 @!p0 $0xFFFFFE00  }
.LBB2_13:
0x174: {  	_ =	sfence.sel $0x180000  }
0x175: {  	[bflag:$0x0] =	sbarrier.arrive $0xFFFF  }
0x176: {  	_ =	strace $0x90000047  }
0x177: {  	[bflag:$0x2] =	sbarrier.arrive $0xFFFF  }
0x178: {  	p0 =	sne.s32 s0, $0x0;
	s0 =	rddreg [dreg:$0x8]  }
0x179: {  	s0 =	sadd.s32 @!p0 $0x100000, s0  }
0x17a: {  	[sflag:s0] =	ssyncadd.tile.s32 @!p0 $0x1;
	_ =	shalt  }
.Lfunc_end2:
_tile_overlayer_lowered:
.L_overlay_start_2:
0x17b: {  	(tag) =	ssettag $0x2  }
0x17c: {  	s0 =	rddreg [dreg:$0x0];
	s2 =	stileid.u32  }
0x17d: {  	s1 =	rddreg [dreg:$0x1];
	p0 =	sne.s32 s2, $0x0  }
0x17e: {  	s3 =	rddreg [dreg:$0x2];
	[bflag:$0x3] =	sbarrier.arrive $0xFFFF;
	s2 =	simm.s32 @!p0 $0x1C01  }
0x17f: {  	[timem:s3], [sflag:s2] =	dma.local @!p0 [hbm:s0], s1  }
0x180: {  	s0 =	simm.s32 @!p0 $0x1  }
0x181: {  	_ =	swait.ge @!p0 [sflag:s0], s1  }
0x182: {  	s1 =	ssub.s32 @!p0 $0x0, s1;
	[sflag:s0] =	ssyncset.done @!p0 $0x0  }
0x183: {  	[sflag:s0] =	ssyncadd.s32 @!p0 s1  }
0x184: {  	[bflag:$0x3] =	sbarrier.arrive $0xFFFF  }
0x185: {  	_ =	shalt  }

</sc_bundles>
